<compile_context>
chip_gen: v7x
topology: tpu7x:2x2x1
jax: 0.10.2.dev20260603
libtpu: 0.0.44.dev20260713+nightly
codegen_flags: <defaults>
</compile_context>

<pallas_src>
import functools

import jax
import jax.numpy as jnp
from jax import lax
from jax.experimental import pallas as pl
from jax.experimental.pallas import tpu as pltpu
from jax.experimental.pallas import tpu_sc as plsc

N_ROWS = 16384
DIM = 2048
NC = 2
NS = 16
NW = NC * NS
L = 16

ROWS_PER_W = N_ROWS // NW
BLK = 8
N_BLKS = ROWS_PER_W // BLK
GRPS = DIM // L
NIN = 4
NOUT = 2

_mesh = plsc.VectorSubcoreMesh(
    core_axis_name="c", subcore_axis_name="s", num_cores=NC, num_subcores=NS
)


@functools.partial(
    pl.kernel,
    out_type=jax.ShapeDtypeStruct((N_ROWS, DIM), jnp.float32),
    mesh=_mesh,
    scratch_types=[
        pltpu.VMEM((DIM + L,), jnp.int32),
        pltpu.VMEM((DIM,), jnp.int32),
        pltpu.VMEM((NIN, BLK, DIM), jnp.float32),
        pltpu.VMEM((NOUT, BLK, DIM), jnp.float32),
        pltpu.SemaphoreType.DMA((NIN,)),
        pltpu.SemaphoreType.DMA((NOUT,)),
    ],
    compiler_params=pltpu.CompilerParams(needs_layout_passes=False),
)
def _reorder_sc(x_hbm, perm_hbm, y_hbm, inv_v, perm_v, in_v, out_v, sin, sout):
    wid = lax.axis_index("s") * NC + lax.axis_index("c")
    base0 = wid * ROWS_PER_W

    pltpu.sync_copy(perm_hbm, perm_v)

    rvecs = [jnp.full((L,), r, jnp.int32) for r in range(BLK)]
    iota16 = lax.iota(jnp.int32, L)

    def binv(j, _):
        off = pl.multiple_of(j * L, L)
        idxj = perm_v[pl.ds(off, L)]
        plsc.store_scatter(inv_v, [idxj], iota16 + off)
        return ()

    lax.fori_loop(0, GRPS, binv, ())

    def in_copy(b, q):
        return pltpu.make_async_copy(
            x_hbm.at[pl.ds(base0 + b * BLK, BLK)], in_v.at[q], sin.at[q]
        )

    def out_copy(b, q):
        return pltpu.make_async_copy(
            out_v.at[q], y_hbm.at[pl.ds(base0 + b * BLK, BLK)], sout.at[q]
        )

    def compute(qi, qo):
        src = in_v.at[qi]
        dst = out_v.at[qo]

        def do_grp(j, inv_cur):
            off_next = pl.multiple_of(j * L + L, L)
            inv_next = inv_v[pl.ds(off_next, L)]
            off = pl.multiple_of(j * L, L)
            vals = [src[r, pl.ds(off, L)] for r in range(BLK)]
            for r in range(BLK):
                plsc.store_scatter(dst, [rvecs[r], inv_cur], vals[r])
            return inv_next

        inv0 = inv_v[pl.ds(0, L)]
        lax.fori_loop(0, GRPS, do_grp, inv0, unroll=2)

    in_copy(0, 0).start()
    in_copy(1, 1).start()
    in_copy(2, 2).start()

    def quad_body(p, _):
        for k in range(NIN):
            b = 4 * p + k
            qo = b % NOUT
            in_copy(b, k).wait()

            @pl.when(b + 3 < N_BLKS)
            def _next_in():
                in_copy(b + 3, (k + 3) % NIN).start()

            @pl.when(b >= NOUT)
            def _wait_out():
                out_copy(b - NOUT, qo).wait()

            compute(k, qo)
            out_copy(b, qo).start()

        return ()

    lax.fori_loop(0, N_BLKS // NIN, quad_body, ())
    out_copy(N_BLKS - 2, 0).wait()
    out_copy(N_BLKS - 1, 1).wait()


def kernel(x, logp, randperm):
    y = _reorder_sc(x, randperm)
    if logp is None:
        return y
    return (y, logp)

# --- scband reference (transcript-rebuilt; emitter-appended) ---
"""Pipeline reference for scband-reorder-63548336111963 (READ-ONLY COPY).

The authoritative reference and input builder live on the scoring server;
editing this copy changes nothing except your own understanding.
"""

import jax, jax.numpy as jnp
import numpy as np

DIM = 2048
N_ROWS = 16384

def setup_inputs(seed: int = 0) -> dict:
    key = jax.random.key(seed)
    k1, k2, k3 = jax.random.split(key, 3)
    x = jax.random.normal(k1, (N_ROWS, DIM), dtype=jnp.float32)
    logp = jax.random.normal(k2, (N_ROWS,), dtype=jnp.float32)
    # buffer equivalent of torch.randperm(dim)
    randperm = jax.random.permutation(k3, DIM).astype(jnp.int32)
    return {"x": x, "logp": logp, "randperm": randperm}

def reference(x, logp, randperm):
    # torch.index_select(x, perm_dim=1, randperm) -> gather along axis 1
    y = jnp.take(x, randperm, axis=1)
    if logp is None:
        return y
    return (y, logp)

if __name__ == "__main__":
    import jax
    _d = setup_inputs()
    print(jax.jit(kernel)(*tuple(_d.values())))

</pallas_src>

<mosaic_0001>
#map = affine_map<(d0, d1) -> (0, 0)>
#map1 = affine_map<(d0, d1) -> (0)>
module attributes {stable_mosaic.version = 14 : i64} {
  func.func @_reorder_sc(%arg0: i32, %arg1: i32, %arg2: memref<16384x2048xf32, #tpu.memory_space<hbm>>, %arg3: memref<2048xi32, #tpu.memory_space<hbm>>, %arg4: memref<16384x2048xf32, #tpu.memory_space<hbm>>, %arg5: memref<2064xi32, #tpu.memory_space<vmem>>, %arg6: memref<2048xi32, #tpu.memory_space<vmem>>, %arg7: memref<4x8x2048xf32, #tpu.memory_space<vmem>>, %arg8: memref<2x8x2048xf32, #tpu.memory_space<vmem>>, %arg9: memref<4x!tpu.dma_semaphore, #tpu.memory_space<semaphore_mem>>, %arg10: memref<2x!tpu.dma_semaphore, #tpu.memory_space<semaphore_mem>>) attributes {dimension_semantics = [#tpu.dimension_semantics<core_parallel>, #tpu.dimension_semantics<subcore_parallel>], iteration_bounds = array<i64: 2, 16>, scalar_prefetch = 0 : i64, scratch_operands = 6 : i64, tpu.core_type = #tpu.core_type<sc_vector_subcore>, window_params = [{transform_indices = #map}, {transform_indices = #map1}, {transform_indices = #map}]} {
    %mul3A = arith.constant 2 : i32
    %mul3A_0 = arith.muli %arg1, %mul3A : i32
    %add3A = arith.addi %mul3A_0, %arg0 : i32
    %mul3A_1 = arith.constant 512 : i32
    %mul3A_2 = arith.muli %add3A, %mul3A_1 : i32
    "tpu.region"() ({
      %run_scoped3A = tpu.sem_alloc : memref<!tpu.dma_semaphore, #tpu.memory_space<semaphore_mem>>
      tpu.enqueue_dma source(%arg3 : memref<2048xi32, #tpu.memory_space<hbm>>) target(%arg6 : memref<2048xi32, #tpu.memory_space<vmem>>) target_semaphore(%run_scoped3A : memref<!tpu.dma_semaphore, #tpu.memory_space<semaphore_mem>>)
      tpu.wait_dma2 semaphore(%run_scoped3A : memref<!tpu.dma_semaphore, #tpu.memory_space<semaphore_mem>>) src(%arg3 : memref<2048xi32, #tpu.memory_space<hbm>>) dst(%arg6 : memref<2048xi32, #tpu.memory_space<vmem>>)
      tpu.yield
    }) : () -> ()
    %broadcast_in_dim3A = arith.constant 0 : i32
    %broadcast_in_dim3A_3 = vector.broadcast %broadcast_in_dim3A : i32 to vector<16xi32>
    %broadcast_in_dim3A_4 = arith.constant 1 : i32
    %broadcast_in_dim3A_5 = vector.broadcast %broadcast_in_dim3A_4 : i32 to vector<16xi32>
    %broadcast_in_dim3A_6 = arith.constant 2 : i32
    %broadcast_in_dim3A_7 = vector.broadcast %broadcast_in_dim3A_6 : i32 to vector<16xi32>
    %broadcast_in_dim3A_8 = arith.constant 3 : i32
    %broadcast_in_dim3A_9 = vector.broadcast %broadcast_in_dim3A_8 : i32 to vector<16xi32>
    %broadcast_in_dim3A_10 = arith.constant 4 : i32
    %broadcast_in_dim3A_11 = vector.broadcast %broadcast_in_dim3A_10 : i32 to vector<16xi32>
    %broadcast_in_dim3A_12 = arith.constant 5 : i32
    %broadcast_in_dim3A_13 = vector.broadcast %broadcast_in_dim3A_12 : i32 to vector<16xi32>
    %broadcast_in_dim3A_14 = arith.constant 6 : i32
    %broadcast_in_dim3A_15 = vector.broadcast %broadcast_in_dim3A_14 : i32 to vector<16xi32>
    %broadcast_in_dim3A_16 = arith.constant 7 : i32
    %broadcast_in_dim3A_17 = vector.broadcast %broadcast_in_dim3A_16 : i32 to vector<16xi32>
    %iota3A = tpu.iota {dimensions = array<i32: 0>} : vector<16xi32>
    %scan3A = arith.constant 0 : i32
    %scan3A_18 = arith.constant 128 : i32
    %scan3A_19 = arith.addi %scan3A, %scan3A_18 : i32
    %scan3A_20 = arith.constant 1 : i32
    scf.for %scan3A_115 = %scan3A to %scan3A_19 step %scan3A_20  : i32 {
      %mul3A_116 = arith.constant 16 : i32
      %mul3A_117 = arith.muli %scan3A_115, %mul3A_116 : i32
      %multiple_of3A = tpu.assume_multiple %mul3A_117, 16 : i32
      %get3A = arith.index_cast %multiple_of3A : i32 to index
      %get3A_118 = tpu.vector_load %arg6[%get3A] {strides = array<i32>} : memref<2048xi32, #tpu.memory_space<vmem>>, vector<16xi32>,
      %add3A_119 = vector.broadcast %multiple_of3A : i32 to vector<16xi32>
      %add3A_120 = arith.addi %iota3A, %add3A_119 : vector<16xi32>
      tpu.vector_store_idx %arg5[%get3A_118], %add3A_120 : memref<2064xi32, #tpu.memory_space<vmem>>[vector<16xi32>], vector<16xi32>,
    }
    %scan3A_21 = arith.constant 128 : i32
    %add3A_22 = arith.constant 0 : i32
    %add3A_23 = arith.addi %mul3A_2, %add3A_22 : i32
    %dma_start3A = arith.constant 0 : i32
    %dma_start3A_24 = arith.constant 0 : i32
    %dma_start3A_25 = arith.constant 0 : i32
    %dma_start3A_26 = arith.constant 0 : i32
    %dma_start3A_27 = tpu.memref_slice %arg7[%dma_start3A, %dma_start3A_25, %dma_start3A_26] : memref<4x8x2048xf32, #tpu.memory_space<vmem>> -> memref<1x8x2048xf32, #tpu.memory_space<vmem>>
    %dma_start3A_28 = tpu.memref_squeeze %dma_start3A_27 : memref<1x8x2048xf32, #tpu.memory_space<vmem>> -> memref<8x2048xf32, #tpu.memory_space<vmem>>
    %dma_start3A_29 = arith.constant 0 : i32
    %dma_start3A_30 = tpu.memref_slice %arg2[%add3A_23, %dma_start3A_29] : memref<16384x2048xf32, #tpu.memory_space<hbm>> -> memref<8x2048xf32, #tpu.memory_space<hbm>>
    %dma_start3A_31 = tpu.memref_slice %arg9[%dma_start3A_24] : memref<4x!tpu.dma_semaphore, #tpu.memory_space<semaphore_mem>> -> memref<1x!tpu.dma_semaphore, #tpu.memory_space<semaphore_mem>>
    %dma_start3A_32 = tpu.memref_squeeze %dma_start3A_31 : memref<1x!tpu.dma_semaphore, #tpu.memory_space<semaphore_mem>> -> memref<!tpu.dma_semaphore, #tpu.memory_space<semaphore_mem>>
    %dma_start3A_33 = arith.constant 0 : i32
    %dma_start3A_34 = arith.constant 0 : i32
    %dma_start3A_35 = tpu.memref_slice %arg7[%dma_start3A, %dma_start3A_33, %dma_start3A_34] : memref<4x8x2048xf32, #tpu.memory_space<vmem>> -> memref<1x8x2048xf32, #tpu.memory_space<vmem>>
    %dma_start3A_36 = tpu.memref_squeeze %dma_start3A_35 : memref<1x8x2048xf32, #tpu.memory_space<vmem>> -> memref<8x2048xf32, #tpu.memory_space<vmem>>
    %dma_start3A_37 = arith.constant 0 : i32
    %dma_start3A_38 = tpu.memref_slice %arg2[%add3A_23, %dma_start3A_37] : memref<16384x2048xf32, #tpu.memory_space<hbm>> -> memref<8x2048xf32, #tpu.memory_space<hbm>>
    tpu.enqueue_dma source(%dma_start3A_38 : memref<8x2048xf32, #tpu.memory_space<hbm>>) target(%dma_start3A_36 : memref<8x2048xf32, #tpu.memory_space<vmem>>) target_semaphore(%dma_start3A_32 : memref<!tpu.dma_semaphore, #tpu.memory_space<semaphore_mem>>)
    %add3A_39 = arith.constant 8 : i32
    %add3A_40 = arith.addi %mul3A_2, %add3A_39 : i32
    %dma_start3A_41 = arith.constant 1 : i32
    %dma_start3A_42 = arith.constant 1 : i32
    %dma_start3A_43 = arith.constant 0 : i32
    %dma_start3A_44 = arith.constant 0 : i32
    %dma_start3A_45 = tpu.memref_slice %arg7[%dma_start3A_41, %dma_start3A_43, %dma_start3A_44] : memref<4x8x2048xf32, #tpu.memory_space<vmem>> -> memref<1x8x2048xf32, #tpu.memory_space<vmem>>
    %dma_start3A_46 = tpu.memref_squeeze %dma_start3A_45 : memref<1x8x2048xf32, #tpu.memory_space<vmem>> -> memref<8x2048xf32, #tpu.memory_space<vmem>>
    %dma_start3A_47 = arith.constant 0 : i32
    %dma_start3A_48 = tpu.memref_slice %arg2[%add3A_40, %dma_start3A_47] : memref<16384x2048xf32, #tpu.memory_space<hbm>> -> memref<8x2048xf32, #tpu.memory_space<hbm>>
    %dma_start3A_49 = tpu.memref_slice %arg9[%dma_start3A_42] : memref<4x!tpu.dma_semaphore, #tpu.memory_space<semaphore_mem>> -> memref<1x!tpu.dma_semaphore, #tpu.memory_space<semaphore_mem>>
    %dma_start3A_50 = tpu.memref_squeeze %dma_start3A_49 : memref<1x!tpu.dma_semaphore, #tpu.memory_space<semaphore_mem>> -> memref<!tpu.dma_semaphore, #tpu.memory_space<semaphore_mem>>
    %dma_start3A_51 = arith.constant 0 : i32
    %dma_start3A_52 = arith.constant 0 : i32
    %dma_start3A_53 = tpu.memref_slice %arg7[%dma_start3A_41, %dma_start3A_51, %dma_start3A_52] : memref<4x8x2048xf32, #tpu.memory_space<vmem>> -> memref<1x8x2048xf32, #tpu.memory_space<vmem>>
    %dma_start3A_54 = tpu.memref_squeeze %dma_start3A_53 : memref<1x8x2048xf32, #tpu.memory_space<vmem>> -> memref<8x2048xf32, #tpu.memory_space<vmem>>
    %dma_start3A_55 = arith.constant 0 : i32
    %dma_start3A_56 = tpu.memref_slice %arg2[%add3A_40, %dma_start3A_55] : memref<16384x2048xf32, #tpu.memory_space<hbm>> -> memref<8x2048xf32, #tpu.memory_space<hbm>>
    tpu.enqueue_dma source(%dma_start3A_56 : memref<8x2048xf32, #tpu.memory_space<hbm>>) target(%dma_start3A_54 : memref<8x2048xf32, #tpu.memory_space<vmem>>) target_semaphore(%dma_start3A_50 : memref<!tpu.dma_semaphore, #tpu.memory_space<semaphore_mem>>)
    %add3A_57 = arith.constant 16 : i32
    %add3A_58 = arith.addi %mul3A_2, %add3A_57 : i32
    %dma_start3A_59 = arith.constant 2 : i32
    %dma_start3A_60 = arith.constant 2 : i32
    %dma_start3A_61 = arith.constant 0 : i32
    %dma_start3A_62 = arith.constant 0 : i32
    %dma_start3A_63 = tpu.memref_slice %arg7[%dma_start3A_59, %dma_start3A_61, %dma_start3A_62] : memref<4x8x2048xf32, #tpu.memory_space<vmem>> -> memref<1x8x2048xf32, #tpu.memory_space<vmem>>
    %dma_start3A_64 = tpu.memref_squeeze %dma_start3A_63 : memref<1x8x2048xf32, #tpu.memory_space<vmem>> -> memref<8x2048xf32, #tpu.memory_space<vmem>>
    %dma_start3A_65 = arith.constant 0 : i32
    %dma_start3A_66 = tpu.memref_slice %arg2[%add3A_58, %dma_start3A_65] : memref<16384x2048xf32, #tpu.memory_space<hbm>> -> memref<8x2048xf32, #tpu.memory_space<hbm>>
    %dma_start3A_67 = tpu.memref_slice %arg9[%dma_start3A_60] : memref<4x!tpu.dma_semaphore, #tpu.memory_space<semaphore_mem>> -> memref<1x!tpu.dma_semaphore, #tpu.memory_space<semaphore_mem>>
    %dma_start3A_68 = tpu.memref_squeeze %dma_start3A_67 : memref<1x!tpu.dma_semaphore, #tpu.memory_space<semaphore_mem>> -> memref<!tpu.dma_semaphore, #tpu.memory_space<semaphore_mem>>
    %dma_start3A_69 = arith.constant 0 : i32
    %dma_start3A_70 = arith.constant 0 : i32
    %dma_start3A_71 = tpu.memref_slice %arg7[%dma_start3A_59, %dma_start3A_69, %dma_start3A_70] : memref<4x8x2048xf32, #tpu.memory_space<vmem>> -> memref<1x8x2048xf32, #tpu.memory_space<vmem>>
    %dma_start3A_72 = tpu.memref_squeeze %dma_start3A_71 : memref<1x8x2048xf32, #tpu.memory_space<vmem>> -> memref<8x2048xf32, #tpu.memory_space<vmem>>
    %dma_start3A_73 = arith.constant 0 : i32
    %dma_start3A_74 = tpu.memref_slice %arg2[%add3A_58, %dma_start3A_73] : memref<16384x2048xf32, #tpu.memory_space<hbm>> -> memref<8x2048xf32, #tpu.memory_space<hbm>>
    tpu.enqueue_dma source(%dma_start3A_74 : memref<8x2048xf32, #tpu.memory_space<hbm>>) target(%dma_start3A_72 : memref<8x2048xf32, #tpu.memory_space<vmem>>) target_semaphore(%dma_start3A_68 : memref<!tpu.dma_semaphore, #tpu.memory_space<semaphore_mem>>)
    %scan3A_75 = arith.constant 0 : i32
    %scan3A_76 = arith.constant 16 : i32
    %scan3A_77 = arith.addi %scan3A_75, %scan3A_76 : i32
    %scan3A_78 = arith.constant 1 : i32
    scf.for %scan3A_115 = %scan3A_75 to %scan3A_77 step %scan3A_78  : i32 {
      %mul3A_116 = arith.constant 4 : i32
      %mul3A_117 = arith.muli %mul3A_116, %scan3A_115 : i32
      %add3A_118 = arith.constant 0 : i32
      %add3A_119 = arith.addi %mul3A_117, %add3A_118 : i32
      %jit3A = arith.constant 2 : i32
      %eq3A = arith.constant 0 : i32
      %eq3A_120 = arith.cmpi eq, %jit3A, %eq3A : i32
      %jit3A_121 = arith.constant 1 : i32
      %select_n3A = arith.select %eq3A_120, %jit3A_121, %jit3A : i32
      %rem3A = arith.remsi %add3A_119, %select_n3A : i32
      %ne3A = arith.constant 0 : i32
      %ne3A_122 = arith.cmpi ne, %rem3A, %ne3A : i32
      %lt3A = arith.constant 0 : i32
      %lt3A_123 = arith.cmpi slt, %rem3A, %lt3A : i32
      %lt3A_124 = arith.constant 0 : i32
      %lt3A_125 = arith.cmpi slt, %select_n3A, %lt3A_124 : i32
      %ne3A_126 = arith.xori %lt3A_123, %lt3A_125 : i1
      %and3A = arith.andi %ne3A_126, %ne3A_122 : i1
      %add3A_127 = arith.addi %rem3A, %select_n3A : i32
      %select_n3A_128 = arith.select %and3A, %add3A_127, %rem3A : i32
      %mul3A_129 = arith.constant 8 : i32
      %mul3A_130 = arith.muli %add3A_119, %mul3A_129 : i32
      %add3A_131 = arith.addi %mul3A_2, %mul3A_130 : i32
      %dma_wait3A_132 = arith.constant 0 : i32
      %dma_wait3A_133 = arith.constant 0 : i32
      %dma_wait3A_134 = arith.constant 0 : i32
      %dma_wait3A_135 = arith.constant 0 : i32
      %dma_wait3A_136 = tpu.memref_slice %arg7[%dma_wait3A_132, %dma_wait3A_134, %dma_wait3A_135] : memref<4x8x2048xf32, #tpu.memory_space<vmem>> -> memref<1x8x2048xf32, #tpu.memory_space<vmem>>
      %dma_wait3A_137 = tpu.memref_squeeze %dma_wait3A_136 : memref<1x8x2048xf32, #tpu.memory_space<vmem>> -> memref<8x2048xf32, #tpu.memory_space<vmem>>
      %dma_wait3A_138 = arith.constant 0 : i32
      %dma_wait3A_139 = tpu.memref_slice %arg2[%add3A_131, %dma_wait3A_138] : memref<16384x2048xf32, #tpu.memory_space<hbm>> -> memref<8x2048xf32, #tpu.memory_space<hbm>>
      %dma_wait3A_140 = tpu.memref_slice %arg9[%dma_wait3A_133] : memref<4x!tpu.dma_semaphore, #tpu.memory_space<semaphore_mem>> -> memref<1x!tpu.dma_semaphore, #tpu.memory_space<semaphore_mem>>
      %dma_wait3A_141 = tpu.memref_squeeze %dma_wait3A_140 : memref<1x!tpu.dma_semaphore, #tpu.memory_space<semaphore_mem>> -> memref<!tpu.dma_semaphore, #tpu.memory_space<semaphore_mem>>
      %dma_wait3A_142 = arith.constant 0 : i32
      %dma_wait3A_143 = arith.constant 0 : i32
      %dma_wait3A_144 = tpu.memref_slice %arg7[%dma_wait3A_132, %dma_wait3A_142, %dma_wait3A_143] : memref<4x8x2048xf32, #tpu.memory_space<vmem>> -> memref<1x8x2048xf32, #tpu.memory_space<vmem>>
      %dma_wait3A_145 = tpu.memref_squeeze %dma_wait3A_144 : memref<1x8x2048xf32, #tpu.memory_space<vmem>> -> memref<8x2048xf32, #tpu.memory_space<vmem>>
      %dma_wait3A_146 = arith.constant 0 : i32
      %dma_wait3A_147 = tpu.memref_slice %arg2[%add3A_131, %dma_wait3A_146] : memref<16384x2048xf32, #tpu.memory_space<hbm>> -> memref<8x2048xf32, #tpu.memory_space<hbm>>
      tpu.wait_dma2 semaphore(%dma_wait3A_141 : memref<!tpu.dma_semaphore, #tpu.memory_space<semaphore_mem>>) src(%dma_wait3A_147 : memref<8x2048xf32, #tpu.memory_space<hbm>>) dst(%dma_wait3A_145 : memref<8x2048xf32, #tpu.memory_space<vmem>>)
      %add3A_148 = arith.constant 3 : i32
      %add3A_149 = arith.addi %add3A_119, %add3A_148 : i32
      %lt3A_150 = arith.constant 64 : i32
      %lt3A_151 = arith.cmpi slt, %add3A_149, %lt3A_150 : i32
      %convert_element_type3A = arith.extui %lt3A_151 : i1 to i32
      %cond3A = arith.constant 0 : i32
      %cond3A_152 = arith.cmpi ne, %convert_element_type3A, %cond3A : i32
      scf.if %cond3A_152 {
        %add3A_413 = arith.constant 3 : i32
        %add3A_414 = arith.addi %add3A_119, %add3A_413 : i32
        %mul3A_415 = arith.constant 8 : i32
        %mul3A_416 = arith.muli %add3A_414, %mul3A_415 : i32
        %add3A_417 = arith.addi %mul3A_2, %mul3A_416 : i32
        %dma_start3A_418 = arith.constant 3 : i32
        %dma_start3A_419 = arith.constant 3 : i32
        %dma_start3A_420 = arith.constant 0 : i32
        %dma_start3A_421 = arith.constant 0 : i32
        %dma_start3A_422 = tpu.memref_slice %arg7[%dma_start3A_418, %dma_start3A_420, %dma_start3A_421] : memref<4x8x2048xf32, #tpu.memory_space<vmem>> -> memref<1x8x2048xf32, #tpu.memory_space<vmem>>
        %dma_start3A_423 = tpu.memref_squeeze %dma_start3A_422 : memref<1x8x2048xf32, #tpu.memory_space<vmem>> -> memref<8x2048xf32, #tpu.memory_space<vmem>>
        %dma_start3A_424 = arith.constant 0 : i32
        %dma_start3A_425 = tpu.memref_slice %arg2[%add3A_417, %dma_start3A_424] : memref<16384x2048xf32, #tpu.memory_space<hbm>> -> memref<8x2048xf32, #tpu.memory_space<hbm>>
        %dma_start3A_426 = tpu.memref_slice %arg9[%dma_start3A_419] : memref<4x!tpu.dma_semaphore, #tpu.memory_space<semaphore_mem>> -> memref<1x!tpu.dma_semaphore, #tpu.memory_space<semaphore_mem>>
        %dma_start3A_427 = tpu.memref_squeeze %dma_start3A_426 : memref<1x!tpu.dma_semaphore, #tpu.memory_space<semaphore_mem>> -> memref<!tpu.dma_semaphore, #tpu.memory_space<semaphore_mem>>
        %dma_start3A_428 = arith.constant 0 : i32
        %dma_start3A_429 = arith.constant 0 : i32
        %dma_start3A_430 = tpu.memref_slice %arg7[%dma_start3A_418, %dma_start3A_428, %dma_start3A_429] : memref<4x8x2048xf32, #tpu.memory_space<vmem>> -> memref<1x8x2048xf32, #tpu.memory_space<vmem>>
        %dma_start3A_431 = tpu.memref_squeeze %dma_start3A_430 : memref<1x8x2048xf32, #tpu.memory_space<vmem>> -> memref<8x2048xf32, #tpu.memory_space<vmem>>
        %dma_start3A_432 = arith.constant 0 : i32
        %dma_start3A_433 = tpu.memref_slice %arg2[%add3A_417, %dma_start3A_432] : memref<16384x2048xf32, #tpu.memory_space<hbm>> -> memref<8x2048xf32, #tpu.memory_space<hbm>>
        tpu.enqueue_dma source(%dma_start3A_433 : memref<8x2048xf32, #tpu.memory_space<hbm>>) target(%dma_start3A_431 : memref<8x2048xf32, #tpu.memory_space<vmem>>) target_semaphore(%dma_start3A_427 : memref<!tpu.dma_semaphore, #tpu.memory_space<semaphore_mem>>)
      } else {
      }
      %ge3A = arith.constant 2 : i32
      %ge3A_153 = arith.cmpi sge, %add3A_119, %ge3A : i32
      %convert_element_type3A_154 = arith.extui %ge3A_153 : i1 to i32
      %cond3A_155 = arith.constant 0 : i32
      %cond3A_156 = arith.cmpi ne, %convert_element_type3A_154, %cond3A_155 : i32
      scf.if %cond3A_156 {
        %sub3A = arith.constant 2 : i32
        %sub3A_413 = arith.subi %add3A_119, %sub3A : i32
        %mul3A_414 = arith.constant 8 : i32
        %mul3A_415 = arith.muli %sub3A_413, %mul3A_414 : i32
        %add3A_416 = arith.addi %mul3A_2, %mul3A_415 : i32
        %dma_wait3A_417 = arith.constant 0 : i32
        %dma_wait3A_418 = arith.constant 0 : i32
        %dma_wait3A_419 = tpu.memref_slice %arg8[%select_n3A_128, %dma_wait3A_417, %dma_wait3A_418] : memref<2x8x2048xf32, #tpu.memory_space<vmem>> -> memref<1x8x2048xf32, #tpu.memory_space<vmem>>
        %dma_wait3A_420 = tpu.memref_squeeze %dma_wait3A_419 : memref<1x8x2048xf32, #tpu.memory_space<vmem>> -> memref<8x2048xf32, #tpu.memory_space<vmem>>
        %dma_wait3A_421 = arith.constant 0 : i32
        %dma_wait3A_422 = tpu.memref_slice %arg4[%add3A_416, %dma_wait3A_421] : memref<16384x2048xf32, #tpu.memory_space<hbm>> -> memref<8x2048xf32, #tpu.memory_space<hbm>>
        %dma_wait3A_423 = tpu.memref_slice %arg10[%select_n3A_128] : memref<2x!tpu.dma_semaphore, #tpu.memory_space<semaphore_mem>> -> memref<1x!tpu.dma_semaphore, #tpu.memory_space<semaphore_mem>>
        %dma_wait3A_424 = tpu.memref_squeeze %dma_wait3A_423 : memref<1x!tpu.dma_semaphore, #tpu.memory_space<semaphore_mem>> -> memref<!tpu.dma_semaphore, #tpu.memory_space<semaphore_mem>>
        %dma_wait3A_425 = arith.constant 0 : i32
        %dma_wait3A_426 = tpu.memref_slice %arg4[%add3A_416, %dma_wait3A_425] : memref<16384x2048xf32, #tpu.memory_space<hbm>> -> memref<8x2048xf32, #tpu.memory_space<hbm>>
        %dma_wait3A_427 = arith.constant 0 : i32
        %dma_wait3A_428 = arith.constant 0 : i32
        %dma_wait3A_429 = tpu.memref_slice %arg8[%select_n3A_128, %dma_wait3A_427, %dma_wait3A_428] : memref<2x8x2048xf32, #tpu.memory_space<vmem>> -> memref<1x8x2048xf32, #tpu.memory_space<vmem>>
        %dma_wait3A_430 = tpu.memref_squeeze %dma_wait3A_429 : memref<1x8x2048xf32, #tpu.memory_space<vmem>> -> memref<8x2048xf32, #tpu.memory_space<vmem>>
        tpu.wait_dma2 semaphore(%dma_wait3A_424 : memref<!tpu.dma_semaphore, #tpu.memory_space<semaphore_mem>>) src(%dma_wait3A_430 : memref<8x2048xf32, #tpu.memory_space<vmem>>) dst(%dma_wait3A_426 : memref<8x2048xf32, #tpu.memory_space<hbm>>)
      } else {
      }
      %get3A = arith.constant 0 : index
      %get3A_157 = tpu.vector_load %arg5[%get3A] {strides = array<i32>} : memref<2064xi32, #tpu.memory_space<vmem>>, vector<16xi32>,
      %scan3A_158 = arith.constant 0 : i32
      %scan3A_159 = arith.constant 0 : i32
      %scan3A_160 = arith.constant 128 : i32
      %scan3A_161 = arith.addi %scan3A_159, %scan3A_160 : i32
      %scan3A_162 = arith.constant 2 : i32
      %scan3A_163 = scf.for %scan3A_413 = %scan3A_159 to %scan3A_161 step %scan3A_162 iter_args(%scan3A_414 = %get3A_157) -> (vector<16xi32>)  : i32 {
        %mul3A_415 = arith.constant 16 : i32
        %mul3A_416 = arith.muli %scan3A_413, %mul3A_415 : i32
        %add3A_417 = arith.constant 16 : i32
        %add3A_418 = arith.addi %mul3A_416, %add3A_417 : i32
        %multiple_of3A = tpu.assume_multiple %add3A_418, 16 : i32
        %get3A_419 = arith.index_cast %multiple_of3A : i32 to index
        %get3A_420 = tpu.vector_load %arg5[%get3A_419] {strides = array<i32>} : memref<2064xi32, #tpu.memory_space<vmem>>, vector<16xi32>,
        %mul3A_421 = arith.constant 16 : i32
        %mul3A_422 = arith.muli %scan3A_413, %mul3A_421 : i32
        %multiple_of3A_423 = tpu.assume_multiple %mul3A_422, 16 : i32
        %get3A_424 = arith.constant 0 : i32
        %get3A_425 = arith.constant 0 : i32
        %get3A_426 = arith.constant 0 : i32
        %get3A_427 = tpu.memref_slice %arg7[%scan3A_158, %get3A_425, %get3A_426] : memref<4x8x2048xf32, #tpu.memory_space<vmem>> -> memref<1x8x2048xf32, #tpu.memory_space<vmem>>
        %get3A_428 = tpu.memref_squeeze %get3A_427 : memref<1x8x2048xf32, #tpu.memory_space<vmem>> -> memref<8x2048xf32, #tpu.memory_space<vmem>>
        %get3A_429 = arith.index_cast %get3A_424 : i32 to index
        %get3A_430 = arith.index_cast %multiple_of3A_423 : i32 to index
        %get3A_431 = tpu.vector_load %get3A_428[%get3A_429, %get3A_430] {strides = array<i32>} : memref<8x2048xf32, #tpu.memory_space<vmem>>, vector<16xf32>,
        %get3A_432 = arith.constant 1 : i32
        %get3A_433 = arith.constant 0 : i32
        %get3A_434 = arith.constant 0 : i32
        %get3A_435 = tpu.memref_slice %arg7[%scan3A_158, %get3A_433, %get3A_434] : memref<4x8x2048xf32, #tpu.memory_space<vmem>> -> memref<1x8x2048xf32, #tpu.memory_space<vmem>>
        %get3A_436 = tpu.memref_squeeze %get3A_435 : memref<1x8x2048xf32, #tpu.memory_space<vmem>> -> memref<8x2048xf32, #tpu.memory_space<vmem>>
        %get3A_437 = arith.index_cast %get3A_432 : i32 to index
        %get3A_438 = arith.index_cast %multiple_of3A_423 : i32 to index
        %get3A_439 = tpu.vector_load %get3A_436[%get3A_437, %get3A_438] {strides = array<i32>} : memref<8x2048xf32, #tpu.memory_space<vmem>>, vector<16xf32>,
        %get3A_440 = arith.constant 2 : i32
        %get3A_441 = arith.constant 0 : i32
        %get3A_442 = arith.constant 0 : i32
        %get3A_443 = tpu.memref_slice %arg7[%scan3A_158, %get3A_441, %get3A_442] : memref<4x8x2048xf32, #tpu.memory_space<vmem>> -> memref<1x8x2048xf32, #tpu.memory_space<vmem>>
        %get3A_444 = tpu.memref_squeeze %get3A_443 : memref<1x8x2048xf32, #tpu.memory_space<vmem>> -> memref<8x2048xf32, #tpu.memory_space<vmem>>
        %get3A_445 = arith.index_cast %get3A_440 : i32 to index
        %get3A_446 = arith.index_cast %multiple_of3A_423 : i32 to index
        %get3A_447 = tpu.vector_load %get3A_444[%get3A_445, %get3A_446] {strides = array<i32>} : memref<8x2048xf32, #tpu.memory_space<vmem>>, vector<16xf32>,
        %get3A_448 = arith.constant 3 : i32
        %get3A_449 = arith.constant 0 : i32
        %get3A_450 = arith.constant 0 : i32
        %get3A_451 = tpu.memref_slice %arg7[%scan3A_158, %get3A_449, %get3A_450] : memref<4x8x2048xf32, #tpu.memory_space<vmem>> -> memref<1x8x2048xf32, #tpu.memory_space<vmem>>
        %get3A_452 = tpu.memref_squeeze %get3A_451 : memref<1x8x2048xf32, #tpu.memory_space<vmem>> -> memref<8x2048xf32, #tpu.memory_space<vmem>>
        %get3A_453 = arith.index_cast %get3A_448 : i32 to index
        %get3A_454 = arith.index_cast %multiple_of3A_423 : i32 to index
        %get3A_455 = tpu.vector_load %get3A_452[%get3A_453, %get3A_454] {strides = array<i32>} : memref<8x2048xf32, #tpu.memory_space<vmem>>, vector<16xf32>,
        %get3A_456 = arith.constant 4 : i32
        %get3A_457 = arith.constant 0 : i32
        %get3A_458 = arith.constant 0 : i32
        %get3A_459 = tpu.memref_slice %arg7[%scan3A_158, %get3A_457, %get3A_458] : memref<4x8x2048xf32, #tpu.memory_space<vmem>> -> memref<1x8x2048xf32, #tpu.memory_space<vmem>>
        %get3A_460 = tpu.memref_squeeze %get3A_459 : memref<1x8x2048xf32, #tpu.memory_space<vmem>> -> memref<8x2048xf32, #tpu.memory_space<vmem>>
        %get3A_461 = arith.index_cast %get3A_456 : i32 to index
        %get3A_462 = arith.index_cast %multiple_of3A_423 : i32 to index
        %get3A_463 = tpu.vector_load %get3A_460[%get3A_461, %get3A_462] {strides = array<i32>} : memref<8x2048xf32, #tpu.memory_space<vmem>>, vector<16xf32>,
        %get3A_464 = arith.constant 5 : i32
        %get3A_465 = arith.constant 0 : i32
        %get3A_466 = arith.constant 0 : i32
        %get3A_467 = tpu.memref_slice %arg7[%scan3A_158, %get3A_465, %get3A_466] : memref<4x8x2048xf32, #tpu.memory_space<vmem>> -> memref<1x8x2048xf32, #tpu.memory_space<vmem>>
        %get3A_468 = tpu.memref_squeeze %get3A_467 : memref<1x8x2048xf32, #tpu.memory_space<vmem>> -> memref<8x2048xf32, #tpu.memory_space<vmem>>
        %get3A_469 = arith.index_cast %get3A_464 : i32 to index
        %get3A_470 = arith.index_cast %multiple_of3A_423 : i32 to index
        %get3A_471 = tpu.vector_load %get3A_468[%get3A_469, %get3A_470] {strides = array<i32>} : memref<8x2048xf32, #tpu.memory_space<vmem>>, vector<16xf32>,
        %get3A_472 = arith.constant 6 : i32
        %get3A_473 = arith.constant 0 : i32
        %get3A_474 = arith.constant 0 : i32
        %get3A_475 = tpu.memref_slice %arg7[%scan3A_158, %get3A_473, %get3A_474] : memref<4x8x2048xf32, #tpu.memory_space<vmem>> -> memref<1x8x2048xf32, #tpu.memory_space<vmem>>
        %get3A_476 = tpu.memref_squeeze %get3A_475 : memref<1x8x2048xf32, #tpu.memory_space<vmem>> -> memref<8x2048xf32, #tpu.memory_space<vmem>>
        %get3A_477 = arith.index_cast %get3A_472 : i32 to index
        %get3A_478 = arith.index_cast %multiple_of3A_423 : i32 to index
        %get3A_479 = tpu.vector_load %get3A_476[%get3A_477, %get3A_478] {strides = array<i32>} : memref<8x2048xf32, #tpu.memory_space<vmem>>, vector<16xf32>,
        %get3A_480 = arith.constant 7 : i32
        %get3A_481 = arith.constant 0 : i32
        %get3A_482 = arith.constant 0 : i32
        %get3A_483 = tpu.memref_slice %arg7[%scan3A_158, %get3A_481, %get3A_482] : memref<4x8x2048xf32, #tpu.memory_space<vmem>> -> memref<1x8x2048xf32, #tpu.memory_space<vmem>>
        %get3A_484 = tpu.memref_squeeze %get3A_483 : memref<1x8x2048xf32, #tpu.memory_space<vmem>> -> memref<8x2048xf32, #tpu.memory_space<vmem>>
        %get3A_485 = arith.index_cast %get3A_480 : i32 to index
        %get3A_486 = arith.index_cast %multiple_of3A_423 : i32 to index
        %get3A_487 = tpu.vector_load %get3A_484[%get3A_485, %get3A_486] {strides = array<i32>} : memref<8x2048xf32, #tpu.memory_space<vmem>>, vector<16xf32>,
        %scatter3A = arith.constant 0 : i32
        %scatter3A_488 = arith.constant 0 : i32
        %scatter3A_489 = tpu.memref_slice %arg8[%select_n3A_128, %scatter3A, %scatter3A_488] : memref<2x8x2048xf32, #tpu.memory_space<vmem>> -> memref<1x8x2048xf32, #tpu.memory_space<vmem>>
        %scatter3A_490 = tpu.memref_squeeze %scatter3A_489 : memref<1x8x2048xf32, #tpu.memory_space<vmem>> -> memref<8x2048xf32, #tpu.memory_space<vmem>>
        tpu.vector_store_idx %scatter3A_490[%broadcast_in_dim3A_3, %scan3A_414], %get3A_431 : memref<8x2048xf32, #tpu.memory_space<vmem>>[vector<16xi32>, vector<16xi32>], vector<16xf32>,
        %scatter3A_491 = arith.constant 0 : i32
        %scatter3A_492 = arith.constant 0 : i32
        %scatter3A_493 = tpu.memref_slice %arg8[%select_n3A_128, %scatter3A_491, %scatter3A_492] : memref<2x8x2048xf32, #tpu.memory_space<vmem>> -> memref<1x8x2048xf32, #tpu.memory_space<vmem>>
        %scatter3A_494 = tpu.memref_squeeze %scatter3A_493 : memref<1x8x2048xf32, #tpu.memory_space<vmem>> -> memref<8x2048xf32, #tpu.memory_space<vmem>>
        tpu.vector_store_idx %scatter3A_494[%broadcast_in_dim3A_5, %scan3A_414], %get3A_439 : memref<8x2048xf32, #tpu.memory_space<vmem>>[vector<16xi32>, vector<16xi32>], vector<16xf32>,
        %scatter3A_495 = arith.constant 0 : i32
        %scatter3A_496 = arith.constant 0 : i32
        %scatter3A_497 = tpu.memref_slice %arg8[%select_n3A_128, %scatter3A_495, %scatter3A_496] : memref<2x8x2048xf32, #tpu.memory_space<vmem>> -> memref<1x8x2048xf32, #tpu.memory_space<vmem>>
        %scatter3A_498 = tpu.memref_squeeze %scatter3A_497 : memref<1x8x2048xf32, #tpu.memory_space<vmem>> -> memref<8x2048xf32, #tpu.memory_space<vmem>>
        tpu.vector_store_idx %scatter3A_498[%broadcast_in_dim3A_7, %scan3A_414], %get3A_447 : memref<8x2048xf32, #tpu.memory_space<vmem>>[vector<16xi32>, vector<16xi32>], vector<16xf32>,
        %scatter3A_499 = arith.constant 0 : i32
        %scatter3A_500 = arith.constant 0 : i32
        %scatter3A_501 = tpu.memref_slice %arg8[%select_n3A_128, %scatter3A_499, %scatter3A_500] : memref<2x8x2048xf32, #tpu.memory_space<vmem>> -> memref<1x8x2048xf32, #tpu.memory_space<vmem>>
        %scatter3A_502 = tpu.memref_squeeze %scatter3A_501 : memref<1x8x2048xf32, #tpu.memory_space<vmem>> -> memref<8x2048xf32, #tpu.memory_space<vmem>>
        tpu.vector_store_idx %scatter3A_502[%broadcast_in_dim3A_9, %scan3A_414], %get3A_455 : memref<8x2048xf32, #tpu.memory_space<vmem>>[vector<16xi32>, vector<16xi32>], vector<16xf32>,
        %scatter3A_503 = arith.constant 0 : i32
        %scatter3A_504 = arith.constant 0 : i32
        %scatter3A_505 = tpu.memref_slice %arg8[%select_n3A_128, %scatter3A_503, %scatter3A_504] : memref<2x8x2048xf32, #tpu.memory_space<vmem>> -> memref<1x8x2048xf32, #tpu.memory_space<vmem>>
        %scatter3A_506 = tpu.memref_squeeze %scatter3A_505 : memref<1x8x2048xf32, #tpu.memory_space<vmem>> -> memref<8x2048xf32, #tpu.memory_space<vmem>>
        tpu.vector_store_idx %scatter3A_506[%broadcast_in_dim3A_11, %scan3A_414], %get3A_463 : memref<8x2048xf32, #tpu.memory_space<vmem>>[vector<16xi32>, vector<16xi32>], vector<16xf32>,
        %scatter3A_507 = arith.constant 0 : i32
        %scatter3A_508 = arith.constant 0 : i32
        %scatter3A_509 = tpu.memref_slice %arg8[%select_n3A_128, %scatter3A_507, %scatter3A_508] : memref<2x8x2048xf32, #tpu.memory_space<vmem>> -> memref<1x8x2048xf32, #tpu.memory_space<vmem>>
        %scatter3A_510 = tpu.memref_squeeze %scatter3A_509 : memref<1x8x2048xf32, #tpu.memory_space<vmem>> -> memref<8x2048xf32, #tpu.memory_space<vmem>>
        tpu.vector_store_idx %scatter3A_510[%broadcast_in_dim3A_13, %scan3A_414], %get3A_471 : memref<8x2048xf32, #tpu.memory_space<vmem>>[vector<16xi32>, vector<16xi32>], vector<16xf32>,
        %scatter3A_511 = arith.constant 0 : i32
        %scatter3A_512 = arith.constant 0 : i32
        %scatter3A_513 = tpu.memref_slice %arg8[%select_n3A_128, %scatter3A_511, %scatter3A_512] : memref<2x8x2048xf32, #tpu.memory_space<vmem>> -> memref<1x8x2048xf32, #tpu.memory_space<vmem>>
        %scatter3A_514 = tpu.memref_squeeze %scatter3A_513 : memref<1x8x2048xf32, #tpu.memory_space<vmem>> -> memref<8x2048xf32, #tpu.memory_space<vmem>>
        tpu.vector_store_idx %scatter3A_514[%broadcast_in_dim3A_15, %scan3A_414], %get3A_479 : memref<8x2048xf32, #tpu.memory_space<vmem>>[vector<16xi32>, vector<16xi32>], vector<16xf32>,
        %scatter3A_515 = arith.constant 0 : i32
        %scatter3A_516 = arith.constant 0 : i32
        %scatter3A_517 = tpu.memref_slice %arg8[%select_n3A_128, %scatter3A_515, %scatter3A_516] : memref<2x8x2048xf32, #tpu.memory_space<vmem>> -> memref<1x8x2048xf32, #tpu.memory_space<vmem>>
        %scatter3A_518 = tpu.memref_squeeze %scatter3A_517 : memref<1x8x2048xf32, #tpu.memory_space<vmem>> -> memref<8x2048xf32, #tpu.memory_space<vmem>>
        tpu.vector_store_idx %scatter3A_518[%broadcast_in_dim3A_17, %scan3A_414], %get3A_487 : memref<8x2048xf32, #tpu.memory_space<vmem>>[vector<16xi32>, vector<16xi32>], vector<16xf32>,
        %scan3A_519 = arith.constant 1 : i32
        %scan3A_520 = arith.addi %scan3A_413, %scan3A_519 : i32
        %mul3A_521 = arith.constant 16 : i32
        %mul3A_522 = arith.muli %scan3A_520, %mul3A_521 : i32
        %add3A_523 = arith.constant 16 : i32
        %add3A_524 = arith.addi %mul3A_522, %add3A_523 : i32
        %multiple_of3A_525 = tpu.assume_multiple %add3A_524, 16 : i32
        %get3A_526 = arith.index_cast %multiple_of3A_525 : i32 to index
        %get3A_527 = tpu.vector_load %arg5[%get3A_526] {strides = array<i32>} : memref<2064xi32, #tpu.memory_space<vmem>>, vector<16xi32>,
        %mul3A_528 = arith.constant 16 : i32
        %mul3A_529 = arith.muli %scan3A_520, %mul3A_528 : i32
        %multiple_of3A_530 = tpu.assume_multiple %mul3A_529, 16 : i32
        %get3A_531 = arith.constant 0 : i32
        %get3A_532 = arith.constant 0 : i32
        %get3A_533 = arith.constant 0 : i32
        %get3A_534 = tpu.memref_slice %arg7[%scan3A_158, %get3A_532, %get3A_533] : memref<4x8x2048xf32, #tpu.memory_space<vmem>> -> memref<1x8x2048xf32, #tpu.memory_space<vmem>>
        %get3A_535 = tpu.memref_squeeze %get3A_534 : memref<1x8x2048xf32, #tpu.memory_space<vmem>> -> memref<8x2048xf32, #tpu.memory_space<vmem>>
        %get3A_536 = arith.index_cast %get3A_531 : i32 to index
        %get3A_537 = arith.index_cast %multiple_of3A_530 : i32 to index
        %get3A_538 = tpu.vector_load %get3A_535[%get3A_536, %get3A_537] {strides = array<i32>} : memref<8x2048xf32, #tpu.memory_space<vmem>>, vector<16xf32>,
        %get3A_539 = arith.constant 1 : i32
        %get3A_540 = arith.constant 0 : i32
        %get3A_541 = arith.constant 0 : i32
        %get3A_542 = tpu.memref_slice %arg7[%scan3A_158, %get3A_540, %get3A_541] : memref<4x8x2048xf32, #tpu.memory_space<vmem>> -> memref<1x8x2048xf32, #tpu.memory_space<vmem>>
        %get3A_543 = tpu.memref_squeeze %get3A_542 : memref<1x8x2048xf32, #tpu.memory_space<vmem>> -> memref<8x2048xf32, #tpu.memory_space<vmem>>
        %get3A_544 = arith.index_cast %get3A_539 : i32 to index
        %get3A_545 = arith.index_cast %multiple_of3A_530 : i32 to index
        %get3A_546 = tpu.vector_load %get3A_543[%get3A_544, %get3A_545] {strides = array<i32>} : memref<8x2048xf32, #tpu.memory_space<vmem>>, vector<16xf32>,
        %get3A_547 = arith.constant 2 : i32
        %get3A_548 = arith.constant 0 : i32
        %get3A_549 = arith.constant 0 : i32
        %get3A_550 = tpu.memref_slice %arg7[%scan3A_158, %get3A_548, %get3A_549] : memref<4x8x2048xf32, #tpu.memory_space<vmem>> -> memref<1x8x2048xf32, #tpu.memory_space<vmem>>
        %get3A_551 = tpu.memref_squeeze %get3A_550 : memref<1x8x2048xf32, #tpu.memory_space<vmem>> -> memref<8x2048xf32, #tpu.memory_space<vmem>>
        %get3A_552 = arith.index_cast %get3A_547 : i32 to index
        %get3A_553 = arith.index_cast %multiple_of3A_530 : i32 to index
        %get3A_554 = tpu.vector_load %get3A_551[%get3A_552, %get3A_553] {strides = array<i32>} : memref<8x2048xf32, #tpu.memory_space<vmem>>, vector<16xf32>,
        %get3A_555 = arith.constant 3 : i32
        %get3A_556 = arith.constant 0 : i32
        %get3A_557 = arith.constant 0 : i32
        %get3A_558 = tpu.memref_slice %arg7[%scan3A_158, %get3A_556, %get3A_557] : memref<4x8x2048xf32, #tpu.memory_space<vmem>> -> memref<1x8x2048xf32, #tpu.memory_space<vmem>>
        %get3A_559 = tpu.memref_squeeze %get3A_558 : memref<1x8x2048xf32, #tpu.memory_space<vmem>> -> memref<8x2048xf32, #tpu.memory_space<vmem>>
        %get3A_560 = arith.index_cast %get3A_555 : i32 to index
        %get3A_561 = arith.index_cast %multiple_of3A_530 : i32 to index
        %get3A_562 = tpu.vector_load %get3A_559[%get3A_560, %get3A_561] {strides = array<i32>} : memref<8x2048xf32, #tpu.memory_space<vmem>>, vector<16xf32>,
        %get3A_563 = arith.constant 4 : i32
        %get3A_564 = arith.constant 0 : i32
        %get3A_565 = arith.constant 0 : i32
        %get3A_566 = tpu.memref_slice %arg7[%scan3A_158, %get3A_564, %get3A_565] : memref<4x8x2048xf32, #tpu.memory_space<vmem>> -> memref<1x8x2048xf32, #tpu.memory_space<vmem>>
        %get3A_567 = tpu.memref_squeeze %get3A_566 : memref<1x8x2048xf32, #tpu.memory_space<vmem>> -> memref<8x2048xf32, #tpu.memory_space<vmem>>
        %get3A_568 = arith.index_cast %get3A_563 : i32 to index
        %get3A_569 = arith.index_cast %multiple_of3A_530 : i32 to index
        %get3A_570 = tpu.vector_load %get3A_567[%get3A_568, %get3A_569] {strides = array<i32>} : memref<8x2048xf32, #tpu.memory_space<vmem>>, vector<16xf32>,
        %get3A_571 = arith.constant 5 : i32
        %get3A_572 = arith.constant 0 : i32
        %get3A_573 = arith.constant 0 : i32
        %get3A_574 = tpu.memref_slice %arg7[%scan3A_158, %get3A_572, %get3A_573] : memref<4x8x2048xf32, #tpu.memory_space<vmem>> -> memref<1x8x2048xf32, #tpu.memory_space<vmem>>
        %get3A_575 = tpu.memref_squeeze %get3A_574 : memref<1x8x2048xf32, #tpu.memory_space<vmem>> -> memref<8x2048xf32, #tpu.memory_space<vmem>>
        %get3A_576 = arith.index_cast %get3A_571 : i32 to index
        %get3A_577 = arith.index_cast %multiple_of3A_530 : i32 to index
        %get3A_578 = tpu.vector_load %get3A_575[%get3A_576, %get3A_577] {strides = array<i32>} : memref<8x2048xf32, #tpu.memory_space<vmem>>, vector<16xf32>,
        %get3A_579 = arith.constant 6 : i32
        %get3A_580 = arith.constant 0 : i32
        %get3A_581 = arith.constant 0 : i32
        %get3A_582 = tpu.memref_slice %arg7[%scan3A_158, %get3A_580, %get3A_581] : memref<4x8x2048xf32, #tpu.memory_space<vmem>> -> memref<1x8x2048xf32, #tpu.memory_space<vmem>>
        %get3A_583 = tpu.memref_squeeze %get3A_582 : memref<1x8x2048xf32, #tpu.memory_space<vmem>> -> memref<8x2048xf32, #tpu.memory_space<vmem>>
        %get3A_584 = arith.index_cast %get3A_579 : i32 to index
        %get3A_585 = arith.index_cast %multiple_of3A_530 : i32 to index
        %get3A_586 = tpu.vector_load %get3A_583[%get3A_584, %get3A_585] {strides = array<i32>} : memref<8x2048xf32, #tpu.memory_space<vmem>>, vector<16xf32>,
        %get3A_587 = arith.constant 7 : i32
        %get3A_588 = arith.constant 0 : i32
        %get3A_589 = arith.constant 0 : i32
        %get3A_590 = tpu.memref_slice %arg7[%scan3A_158, %get3A_588, %get3A_589] : memref<4x8x2048xf32, #tpu.memory_space<vmem>> -> memref<1x8x2048xf32, #tpu.memory_space<vmem>>
        %get3A_591 = tpu.memref_squeeze %get3A_590 : memref<1x8x2048xf32, #tpu.memory_space<vmem>> -> memref<8x2048xf32, #tpu.memory_space<vmem>>
        %get3A_592 = arith.index_cast %get3A_587 : i32 to index
        %get3A_593 = arith.index_cast %multiple_of3A_530 : i32 to index
        %get3A_594 = tpu.vector_load %get3A_591[%get3A_592, %get3A_593] {strides = array<i32>} : memref<8x2048xf32, #tpu.memory_space<vmem>>, vector<16xf32>,
        %scatter3A_595 = arith.constant 0 : i32
        %scatter3A_596 = arith.constant 0 : i32
        %scatter3A_597 = tpu.memref_slice %arg8[%select_n3A_128, %scatter3A_595, %scatter3A_596] : memref<2x8x2048xf32, #tpu.memory_space<vmem>> -> memref<1x8x2048xf32, #tpu.memory_space<vmem>>
        %scatter3A_598 = tpu.memref_squeeze %scatter3A_597 : memref<1x8x2048xf32, #tpu.memory_space<vmem>> -> memref<8x2048xf32, #tpu.memory_space<vmem>>
        tpu.vector_store_idx %scatter3A_598[%broadcast_in_dim3A_3, %get3A_420], %get3A_538 : memref<8x2048xf32, #tpu.memory_space<vmem>>[vector<16xi32>, vector<16xi32>], vector<16xf32>,
        %scatter3A_599 = arith.constant 0 : i32
        %scatter3A_600 = arith.constant 0 : i32
        %scatter3A_601 = tpu.memref_slice %arg8[%select_n3A_128, %scatter3A_599, %scatter3A_600] : memref<2x8x2048xf32, #tpu.memory_space<vmem>> -> memref<1x8x2048xf32, #tpu.memory_space<vmem>>
        %scatter3A_602 = tpu.memref_squeeze %scatter3A_601 : memref<1x8x2048xf32, #tpu.memory_space<vmem>> -> memref<8x2048xf32, #tpu.memory_space<vmem>>
        tpu.vector_store_idx %scatter3A_602[%broadcast_in_dim3A_5, %get3A_420], %get3A_546 : memref<8x2048xf32, #tpu.memory_space<vmem>>[vector<16xi32>, vector<16xi32>], vector<16xf32>,
        %scatter3A_603 = arith.constant 0 : i32
        %scatter3A_604 = arith.constant 0 : i32
        %scatter3A_605 = tpu.memref_slice %arg8[%select_n3A_128, %scatter3A_603, %scatter3A_604] : memref<2x8x2048xf32, #tpu.memory_space<vmem>> -> memref<1x8x2048xf32, #tpu.memory_space<vmem>>
        %scatter3A_606 = tpu.memref_squeeze %scatter3A_605 : memref<1x8x2048xf32, #tpu.memory_space<vmem>> -> memref<8x2048xf32, #tpu.memory_space<vmem>>
        tpu.vector_store_idx %scatter3A_606[%broadcast_in_dim3A_7, %get3A_420], %get3A_554 : memref<8x2048xf32, #tpu.memory_space<vmem>>[vector<16xi32>, vector<16xi32>], vector<16xf32>,
        %scatter3A_607 = arith.constant 0 : i32
        %scatter3A_608 = arith.constant 0 : i32
        %scatter3A_609 = tpu.memref_slice %arg8[%select_n3A_128, %scatter3A_607, %scatter3A_608] : memref<2x8x2048xf32, #tpu.memory_space<vmem>> -> memref<1x8x2048xf32, #tpu.memory_space<vmem>>
        %scatter3A_610 = tpu.memref_squeeze %scatter3A_609 : memref<1x8x2048xf32, #tpu.memory_space<vmem>> -> memref<8x2048xf32, #tpu.memory_space<vmem>>
        tpu.vector_store_idx %scatter3A_610[%broadcast_in_dim3A_9, %get3A_420], %get3A_562 : memref<8x2048xf32, #tpu.memory_space<vmem>>[vector<16xi32>, vector<16xi32>], vector<16xf32>,
        %scatter3A_611 = arith.constant 0 : i32
        %scatter3A_612 = arith.constant 0 : i32
        %scatter3A_613 = tpu.memref_slice %arg8[%select_n3A_128, %scatter3A_611, %scatter3A_612] : memref<2x8x2048xf32, #tpu.memory_space<vmem>> -> memref<1x8x2048xf32, #tpu.memory_space<vmem>>
        %scatter3A_614 = tpu.memref_squeeze %scatter3A_613 : memref<1x8x2048xf32, #tpu.memory_space<vmem>> -> memref<8x2048xf32, #tpu.memory_space<vmem>>
        tpu.vector_store_idx %scatter3A_614[%broadcast_in_dim3A_11, %get3A_420], %get3A_570 : memref<8x2048xf32, #tpu.memory_space<vmem>>[vector<16xi32>, vector<16xi32>], vector<16xf32>,
        %scatter3A_615 = arith.constant 0 : i32
        %scatter3A_616 = arith.constant 0 : i32
        %scatter3A_617 = tpu.memref_slice %arg8[%select_n3A_128, %scatter3A_615, %scatter3A_616] : memref<2x8x2048xf32, #tpu.memory_space<vmem>> -> memref<1x8x2048xf32, #tpu.memory_space<vmem>>
        %scatter3A_618 = tpu.memref_squeeze %scatter3A_617 : memref<1x8x2048xf32, #tpu.memory_space<vmem>> -> memref<8x2048xf32, #tpu.memory_space<vmem>>
        tpu.vector_store_idx %scatter3A_618[%broadcast_in_dim3A_13, %get3A_420], %get3A_578 : memref<8x2048xf32, #tpu.memory_space<vmem>>[vector<16xi32>, vector<16xi32>], vector<16xf32>,
        %scatter3A_619 = arith.constant 0 : i32
        %scatter3A_620 = arith.constant 0 : i32
        %scatter3A_621 = tpu.memref_slice %arg8[%select_n3A_128, %scatter3A_619, %scatter3A_620] : memref<2x8x2048xf32, #tpu.memory_space<vmem>> -> memref<1x8x2048xf32, #tpu.memory_space<vmem>>
        %scatter3A_622 = tpu.memref_squeeze %scatter3A_621 : memref<1x8x2048xf32, #tpu.memory_space<vmem>> -> memref<8x2048xf32, #tpu.memory_space<vmem>>
        tpu.vector_store_idx %scatter3A_622[%broadcast_in_dim3A_15, %get3A_420], %get3A_586 : memref<8x2048xf32, #tpu.memory_space<vmem>>[vector<16xi32>, vector<16xi32>], vector<16xf32>,
        %scatter3A_623 = arith.constant 0 : i32
        %scatter3A_624 = arith.constant 0 : i32
        %scatter3A_625 = tpu.memref_slice %arg8[%select_n3A_128, %scatter3A_623, %scatter3A_624] : memref<2x8x2048xf32, #tpu.memory_space<vmem>> -> memref<1x8x2048xf32, #tpu.memory_space<vmem>>
        %scatter3A_626 = tpu.memref_squeeze %scatter3A_625 : memref<1x8x2048xf32, #tpu.memory_space<vmem>> -> memref<8x2048xf32, #tpu.memory_space<vmem>>
        tpu.vector_store_idx %scatter3A_626[%broadcast_in_dim3A_17, %get3A_420], %get3A_594 : memref<8x2048xf32, #tpu.memory_space<vmem>>[vector<16xi32>, vector<16xi32>], vector<16xf32>,
        scf.yield %get3A_527 : vector<16xi32>
      }
      %scan3A_164 = arith.constant 128 : i32
      %mul3A_165 = arith.constant 8 : i32
      %mul3A_166 = arith.muli %add3A_119, %mul3A_165 : i32
      %add3A_167 = arith.addi %mul3A_2, %mul3A_166 : i32
      %dma_start3A_168 = arith.constant 0 : i32
      %dma_start3A_169 = arith.constant 0 : i32
      %dma_start3A_170 = tpu.memref_slice %arg8[%select_n3A_128, %dma_start3A_168, %dma_start3A_169] : memref<2x8x2048xf32, #tpu.memory_space<vmem>> -> memref<1x8x2048xf32, #tpu.memory_space<vmem>>
      %dma_start3A_171 = tpu.memref_squeeze %dma_start3A_170 : memref<1x8x2048xf32, #tpu.memory_space<vmem>> -> memref<8x2048xf32, #tpu.memory_space<vmem>>
      %dma_start3A_172 = arith.constant 0 : i32
      %dma_start3A_173 = tpu.memref_slice %arg4[%add3A_167, %dma_start3A_172] : memref<16384x2048xf32, #tpu.memory_space<hbm>> -> memref<8x2048xf32, #tpu.memory_space<hbm>>
      %dma_start3A_174 = tpu.memref_slice %arg10[%select_n3A_128] : memref<2x!tpu.dma_semaphore, #tpu.memory_space<semaphore_mem>> -> memref<1x!tpu.dma_semaphore, #tpu.memory_space<semaphore_mem>>
      %dma_start3A_175 = tpu.memref_squeeze %dma_start3A_174 : memref<1x!tpu.dma_semaphore, #tpu.memory_space<semaphore_mem>> -> memref<!tpu.dma_semaphore, #tpu.memory_space<semaphore_mem>>
      %dma_start3A_176 = arith.constant 0 : i32
      %dma_start3A_177 = tpu.memref_slice %arg4[%add3A_167, %dma_start3A_176] : memref<16384x2048xf32, #tpu.memory_space<hbm>> -> memref<8x2048xf32, #tpu.memory_space<hbm>>
      %dma_start3A_178 = arith.constant 0 : i32
      %dma_start3A_179 = arith.constant 0 : i32
      %dma_start3A_180 = tpu.memref_slice %arg8[%select_n3A_128, %dma_start3A_178, %dma_start3A_179] : memref<2x8x2048xf32, #tpu.memory_space<vmem>> -> memref<1x8x2048xf32, #tpu.memory_space<vmem>>
      %dma_start3A_181 = tpu.memref_squeeze %dma_start3A_180 : memref<1x8x2048xf32, #tpu.memory_space<vmem>> -> memref<8x2048xf32, #tpu.memory_space<vmem>>
      tpu.enqueue_dma source(%dma_start3A_181 : memref<8x2048xf32, #tpu.memory_space<vmem>>) target(%dma_start3A_177 : memref<8x2048xf32, #tpu.memory_space<hbm>>) target_semaphore(%dma_start3A_175 : memref<!tpu.dma_semaphore, #tpu.memory_space<semaphore_mem>>)
      %mul3A_182 = arith.constant 4 : i32
      %mul3A_183 = arith.muli %mul3A_182, %scan3A_115 : i32
      %add3A_184 = arith.constant 1 : i32
      %add3A_185 = arith.addi %mul3A_183, %add3A_184 : i32
      %jit3A_186 = arith.constant 2 : i32
      %eq3A_187 = arith.constant 0 : i32
      %eq3A_188 = arith.cmpi eq, %jit3A_186, %eq3A_187 : i32
      %jit3A_189 = arith.constant 1 : i32
      %select_n3A_190 = arith.select %eq3A_188, %jit3A_189, %jit3A_186 : i32
      %rem3A_191 = arith.remsi %add3A_185, %select_n3A_190 : i32
      %ne3A_192 = arith.constant 0 : i32
      %ne3A_193 = arith.cmpi ne, %rem3A_191, %ne3A_192 : i32
      %lt3A_194 = arith.constant 0 : i32
      %lt3A_195 = arith.cmpi slt, %rem3A_191, %lt3A_194 : i32
      %lt3A_196 = arith.constant 0 : i32
      %lt3A_197 = arith.cmpi slt, %select_n3A_190, %lt3A_196 : i32
      %ne3A_198 = arith.xori %lt3A_195, %lt3A_197 : i1
      %and3A_199 = arith.andi %ne3A_198, %ne3A_193 : i1
      %add3A_200 = arith.addi %rem3A_191, %select_n3A_190 : i32
      %select_n3A_201 = arith.select %and3A_199, %add3A_200, %rem3A_191 : i32
      %mul3A_202 = arith.constant 8 : i32
      %mul3A_203 = arith.muli %add3A_185, %mul3A_202 : i32
      %add3A_204 = arith.addi %mul3A_2, %mul3A_203 : i32
      %dma_wait3A_205 = arith.constant 1 : i32
      %dma_wait3A_206 = arith.constant 1 : i32
      %dma_wait3A_207 = arith.constant 0 : i32
      %dma_wait3A_208 = arith.constant 0 : i32
      %dma_wait3A_209 = tpu.memref_slice %arg7[%dma_wait3A_205, %dma_wait3A_207, %dma_wait3A_208] : memref<4x8x2048xf32, #tpu.memory_space<vmem>> -> memref<1x8x2048xf32, #tpu.memory_space<vmem>>
      %dma_wait3A_210 = tpu.memref_squeeze %dma_wait3A_209 : memref<1x8x2048xf32, #tpu.memory_space<vmem>> -> memref<8x2048xf32, #tpu.memory_space<vmem>>
      %dma_wait3A_211 = arith.constant 0 : i32
      %dma_wait3A_212 = tpu.memref_slice %arg2[%add3A_204, %dma_wait3A_211] : memref<16384x2048xf32, #tpu.memory_space<hbm>> -> memref<8x2048xf32, #tpu.memory_space<hbm>>
      %dma_wait3A_213 = tpu.memref_slice %arg9[%dma_wait3A_206] : memref<4x!tpu.dma_semaphore, #tpu.memory_space<semaphore_mem>> -> memref<1x!tpu.dma_semaphore, #tpu.memory_space<semaphore_mem>>
      %dma_wait3A_214 = tpu.memref_squeeze %dma_wait3A_213 : memref<1x!tpu.dma_semaphore, #tpu.memory_space<semaphore_mem>> -> memref<!tpu.dma_semaphore, #tpu.memory_space<semaphore_mem>>
      %dma_wait3A_215 = arith.constant 0 : i32
      %dma_wait3A_216 = arith.constant 0 : i32
      %dma_wait3A_217 = tpu.memref_slice %arg7[%dma_wait3A_205, %dma_wait3A_215, %dma_wait3A_216] : memref<4x8x2048xf32, #tpu.memory_space<vmem>> -> memref<1x8x2048xf32, #tpu.memory_space<vmem>>
      %dma_wait3A_218 = tpu.memref_squeeze %dma_wait3A_217 : memref<1x8x2048xf32, #tpu.memory_space<vmem>> -> memref<8x2048xf32, #tpu.memory_space<vmem>>
      %dma_wait3A_219 = arith.constant 0 : i32
      %dma_wait3A_220 = tpu.memref_slice %arg2[%add3A_204, %dma_wait3A_219] : memref<16384x2048xf32, #tpu.memory_space<hbm>> -> memref<8x2048xf32, #tpu.memory_space<hbm>>
      tpu.wait_dma2 semaphore(%dma_wait3A_214 : memref<!tpu.dma_semaphore, #tpu.memory_space<semaphore_mem>>) src(%dma_wait3A_220 : memref<8x2048xf32, #tpu.memory_space<hbm>>) dst(%dma_wait3A_218 : memref<8x2048xf32, #tpu.memory_space<vmem>>)
      %add3A_221 = arith.constant 3 : i32
      %add3A_222 = arith.addi %add3A_185, %add3A_221 : i32
      %lt3A_223 = arith.constant 64 : i32
      %lt3A_224 = arith.cmpi slt, %add3A_222, %lt3A_223 : i32
      %convert_element_type3A_225 = arith.extui %lt3A_224 : i1 to i32
      %cond3A_226 = arith.constant 0 : i32
      %cond3A_227 = arith.cmpi ne, %convert_element_type3A_225, %cond3A_226 : i32
      scf.if %cond3A_227 {
        %add3A_413 = arith.constant 3 : i32
        %add3A_414 = arith.addi %add3A_185, %add3A_413 : i32
        %mul3A_415 = arith.constant 8 : i32
        %mul3A_416 = arith.muli %add3A_414, %mul3A_415 : i32
        %add3A_417 = arith.addi %mul3A_2, %mul3A_416 : i32
        %dma_start3A_418 = arith.constant 0 : i32
        %dma_start3A_419 = arith.constant 0 : i32
        %dma_start3A_420 = arith.constant 0 : i32
        %dma_start3A_421 = arith.constant 0 : i32
        %dma_start3A_422 = tpu.memref_slice %arg7[%dma_start3A_418, %dma_start3A_420, %dma_start3A_421] : memref<4x8x2048xf32, #tpu.memory_space<vmem>> -> memref<1x8x2048xf32, #tpu.memory_space<vmem>>
        %dma_start3A_423 = tpu.memref_squeeze %dma_start3A_422 : memref<1x8x2048xf32, #tpu.memory_space<vmem>> -> memref<8x2048xf32, #tpu.memory_space<vmem>>
        %dma_start3A_424 = arith.constant 0 : i32
        %dma_start3A_425 = tpu.memref_slice %arg2[%add3A_417, %dma_start3A_424] : memref<16384x2048xf32, #tpu.memory_space<hbm>> -> memref<8x2048xf32, #tpu.memory_space<hbm>>
        %dma_start3A_426 = tpu.memref_slice %arg9[%dma_start3A_419] : memref<4x!tpu.dma_semaphore, #tpu.memory_space<semaphore_mem>> -> memref<1x!tpu.dma_semaphore, #tpu.memory_space<semaphore_mem>>
        %dma_start3A_427 = tpu.memref_squeeze %dma_start3A_426 : memref<1x!tpu.dma_semaphore, #tpu.memory_space<semaphore_mem>> -> memref<!tpu.dma_semaphore, #tpu.memory_space<semaphore_mem>>
        %dma_start3A_428 = arith.constant 0 : i32
        %dma_start3A_429 = arith.constant 0 : i32
        %dma_start3A_430 = tpu.memref_slice %arg7[%dma_start3A_418, %dma_start3A_428, %dma_start3A_429] : memref<4x8x2048xf32, #tpu.memory_space<vmem>> -> memref<1x8x2048xf32, #tpu.memory_space<vmem>>
        %dma_start3A_431 = tpu.memref_squeeze %dma_start3A_430 : memref<1x8x2048xf32, #tpu.memory_space<vmem>> -> memref<8x2048xf32, #tpu.memory_space<vmem>>
        %dma_start3A_432 = arith.constant 0 : i32
        %dma_start3A_433 = tpu.memref_slice %arg2[%add3A_417, %dma_start3A_432] : memref<16384x2048xf32, #tpu.memory_space<hbm>> -> memref<8x2048xf32, #tpu.memory_space<hbm>>
        tpu.enqueue_dma source(%dma_start3A_433 : memref<8x2048xf32, #tpu.memory_space<hbm>>) target(%dma_start3A_431 : memref<8x2048xf32, #tpu.memory_space<vmem>>) target_semaphore(%dma_start3A_427 : memref<!tpu.dma_semaphore, #tpu.memory_space<semaphore_mem>>)
      } else {
      }
      %ge3A_228 = arith.constant 2 : i32
      %ge3A_229 = arith.cmpi sge, %add3A_185, %ge3A_228 : i32
      %convert_element_type3A_230 = arith.extui %ge3A_229 : i1 to i32
      %cond3A_231 = arith.constant 0 : i32
      %cond3A_232 = arith.cmpi ne, %convert_element_type3A_230, %cond3A_231 : i32
      scf.if %cond3A_232 {
        %sub3A = arith.constant 2 : i32
        %sub3A_413 = arith.subi %add3A_185, %sub3A : i32
        %mul3A_414 = arith.constant 8 : i32
        %mul3A_415 = arith.muli %sub3A_413, %mul3A_414 : i32
        %add3A_416 = arith.addi %mul3A_2, %mul3A_415 : i32
        %dma_wait3A_417 = arith.constant 0 : i32
        %dma_wait3A_418 = arith.constant 0 : i32
        %dma_wait3A_419 = tpu.memref_slice %arg8[%select_n3A_201, %dma_wait3A_417, %dma_wait3A_418] : memref<2x8x2048xf32, #tpu.memory_space<vmem>> -> memref<1x8x2048xf32, #tpu.memory_space<vmem>>
        %dma_wait3A_420 = tpu.memref_squeeze %dma_wait3A_419 : memref<1x8x2048xf32, #tpu.memory_space<vmem>> -> memref<8x2048xf32, #tpu.memory_space<vmem>>
        %dma_wait3A_421 = arith.constant 0 : i32
        %dma_wait3A_422 = tpu.memref_slice %arg4[%add3A_416, %dma_wait3A_421] : memref<16384x2048xf32, #tpu.memory_space<hbm>> -> memref<8x2048xf32, #tpu.memory_space<hbm>>
        %dma_wait3A_423 = tpu.memref_slice %arg10[%select_n3A_201] : memref<2x!tpu.dma_semaphore, #tpu.memory_space<semaphore_mem>> -> memref<1x!tpu.dma_semaphore, #tpu.memory_space<semaphore_mem>>
        %dma_wait3A_424 = tpu.memref_squeeze %dma_wait3A_423 : memref<1x!tpu.dma_semaphore, #tpu.memory_space<semaphore_mem>> -> memref<!tpu.dma_semaphore, #tpu.memory_space<semaphore_mem>>
        %dma_wait3A_425 = arith.constant 0 : i32
        %dma_wait3A_426 = tpu.memref_slice %arg4[%add3A_416, %dma_wait3A_425] : memref<16384x2048xf32, #tpu.memory_space<hbm>> -> memref<8x2048xf32, #tpu.memory_space<hbm>>
        %dma_wait3A_427 = arith.constant 0 : i32
        %dma_wait3A_428 = arith.constant 0 : i32
        %dma_wait3A_429 = tpu.memref_slice %arg8[%select_n3A_201, %dma_wait3A_427, %dma_wait3A_428] : memref<2x8x2048xf32, #tpu.memory_space<vmem>> -> memref<1x8x2048xf32, #tpu.memory_space<vmem>>
        %dma_wait3A_430 = tpu.memref_squeeze %dma_wait3A_429 : memref<1x8x2048xf32, #tpu.memory_space<vmem>> -> memref<8x2048xf32, #tpu.memory_space<vmem>>
        tpu.wait_dma2 semaphore(%dma_wait3A_424 : memref<!tpu.dma_semaphore, #tpu.memory_space<semaphore_mem>>) src(%dma_wait3A_430 : memref<8x2048xf32, #tpu.memory_space<vmem>>) dst(%dma_wait3A_426 : memref<8x2048xf32, #tpu.memory_space<hbm>>)
      } else {
      }
      %get3A_233 = arith.constant 0 : index
      %get3A_234 = tpu.vector_load %arg5[%get3A_233] {strides = array<i32>} : memref<2064xi32, #tpu.memory_space<vmem>>, vector<16xi32>,
      %scan3A_235 = arith.constant 1 : i32
      %scan3A_236 = arith.constant 0 : i32
      %scan3A_237 = arith.constant 128 : i32
      %scan3A_238 = arith.addi %scan3A_236, %scan3A_237 : i32
      %scan3A_239 = arith.constant 2 : i32
      %scan3A_240 = scf.for %scan3A_413 = %scan3A_236 to %scan3A_238 step %scan3A_239 iter_args(%scan3A_414 = %get3A_234) -> (vector<16xi32>)  : i32 {
        %mul3A_415 = arith.constant 16 : i32
        %mul3A_416 = arith.muli %scan3A_413, %mul3A_415 : i32
        %add3A_417 = arith.constant 16 : i32
        %add3A_418 = arith.addi %mul3A_416, %add3A_417 : i32
        %multiple_of3A = tpu.assume_multiple %add3A_418, 16 : i32
        %get3A_419 = arith.index_cast %multiple_of3A : i32 to index
        %get3A_420 = tpu.vector_load %arg5[%get3A_419] {strides = array<i32>} : memref<2064xi32, #tpu.memory_space<vmem>>, vector<16xi32>,
        %mul3A_421 = arith.constant 16 : i32
        %mul3A_422 = arith.muli %scan3A_413, %mul3A_421 : i32
        %multiple_of3A_423 = tpu.assume_multiple %mul3A_422, 16 : i32
        %get3A_424 = arith.constant 0 : i32
        %get3A_425 = arith.constant 0 : i32
        %get3A_426 = arith.constant 0 : i32
        %get3A_427 = tpu.memref_slice %arg7[%scan3A_235, %get3A_425, %get3A_426] : memref<4x8x2048xf32, #tpu.memory_space<vmem>> -> memref<1x8x2048xf32, #tpu.memory_space<vmem>>
        %get3A_428 = tpu.memref_squeeze %get3A_427 : memref<1x8x2048xf32, #tpu.memory_space<vmem>> -> memref<8x2048xf32, #tpu.memory_space<vmem>>
        %get3A_429 = arith.index_cast %get3A_424 : i32 to index
        %get3A_430 = arith.index_cast %multiple_of3A_423 : i32 to index
        %get3A_431 = tpu.vector_load %get3A_428[%get3A_429, %get3A_430] {strides = array<i32>} : memref<8x2048xf32, #tpu.memory_space<vmem>>, vector<16xf32>,
        %get3A_432 = arith.constant 1 : i32
        %get3A_433 = arith.constant 0 : i32
        %get3A_434 = arith.constant 0 : i32
        %get3A_435 = tpu.memref_slice %arg7[%scan3A_235, %get3A_433, %get3A_434] : memref<4x8x2048xf32, #tpu.memory_space<vmem>> -> memref<1x8x2048xf32, #tpu.memory_space<vmem>>
        %get3A_436 = tpu.memref_squeeze %get3A_435 : memref<1x8x2048xf32, #tpu.memory_space<vmem>> -> memref<8x2048xf32, #tpu.memory_space<vmem>>
        %get3A_437 = arith.index_cast %get3A_432 : i32 to index
        %get3A_438 = arith.index_cast %multiple_of3A_423 : i32 to index
        %get3A_439 = tpu.vector_load %get3A_436[%get3A_437, %get3A_438] {strides = array<i32>} : memref<8x2048xf32, #tpu.memory_space<vmem>>, vector<16xf32>,
        %get3A_440 = arith.constant 2 : i32
        %get3A_441 = arith.constant 0 : i32
        %get3A_442 = arith.constant 0 : i32
        %get3A_443 = tpu.memref_slice %arg7[%scan3A_235, %get3A_441, %get3A_442] : memref<4x8x2048xf32, #tpu.memory_space<vmem>> -> memref<1x8x2048xf32, #tpu.memory_space<vmem>>
        %get3A_444 = tpu.memref_squeeze %get3A_443 : memref<1x8x2048xf32, #tpu.memory_space<vmem>> -> memref<8x2048xf32, #tpu.memory_space<vmem>>
        %get3A_445 = arith.index_cast %get3A_440 : i32 to index
        %get3A_446 = arith.index_cast %multiple_of3A_423 : i32 to index
        %get3A_447 = tpu.vector_load %get3A_444[%get3A_445, %get3A_446] {strides = array<i32>} : memref<8x2048xf32, #tpu.memory_space<vmem>>, vector<16xf32>,
        %get3A_448 = arith.constant 3 : i32
        %get3A_449 = arith.constant 0 : i32
        %get3A_450 = arith.constant 0 : i32
        %get3A_451 = tpu.memref_slice %arg7[%scan3A_235, %get3A_449, %get3A_450] : memref<4x8x2048xf32, #tpu.memory_space<vmem>> -> memref<1x8x2048xf32, #tpu.memory_space<vmem>>
        %get3A_452 = tpu.memref_squeeze %get3A_451 : memref<1x8x2048xf32, #tpu.memory_space<vmem>> -> memref<8x2048xf32, #tpu.memory_space<vmem>>
        %get3A_453 = arith.index_cast %get3A_448 : i32 to index
        %get3A_454 = arith.index_cast %multiple_of3A_423 : i32 to index
        %get3A_455 = tpu.vector_load %get3A_452[%get3A_453, %get3A_454] {strides = array<i32>} : memref<8x2048xf32, #tpu.memory_space<vmem>>, vector<16xf32>,
        %get3A_456 = arith.constant 4 : i32
        %get3A_457 = arith.constant 0 : i32
        %get3A_458 = arith.constant 0 : i32
        %get3A_459 = tpu.memref_slice %arg7[%scan3A_235, %get3A_457, %get3A_458] : memref<4x8x2048xf32, #tpu.memory_space<vmem>> -> memref<1x8x2048xf32, #tpu.memory_space<vmem>>
        %get3A_460 = tpu.memref_squeeze %get3A_459 : memref<1x8x2048xf32, #tpu.memory_space<vmem>> -> memref<8x2048xf32, #tpu.memory_space<vmem>>
        %get3A_461 = arith.index_cast %get3A_456 : i32 to index
        %get3A_462 = arith.index_cast %multiple_of3A_423 : i32 to index
        %get3A_463 = tpu.vector_load %get3A_460[%get3A_461, %get3A_462] {strides = array<i32>} : memref<8x2048xf32, #tpu.memory_space<vmem>>, vector<16xf32>,
        %get3A_464 = arith.constant 5 : i32
        %get3A_465 = arith.constant 0 : i32
        %get3A_466 = arith.constant 0 : i32
        %get3A_467 = tpu.memref_slice %arg7[%scan3A_235, %get3A_465, %get3A_466] : memref<4x8x2048xf32, #tpu.memory_space<vmem>> -> memref<1x8x2048xf32, #tpu.memory_space<vmem>>
        %get3A_468 = tpu.memref_squeeze %get3A_467 : memref<1x8x2048xf32, #tpu.memory_space<vmem>> -> memref<8x2048xf32, #tpu.memory_space<vmem>>
        %get3A_469 = arith.index_cast %get3A_464 : i32 to index
        %get3A_470 = arith.index_cast %multiple_of3A_423 : i32 to index
        %get3A_471 = tpu.vector_load %get3A_468[%get3A_469, %get3A_470] {strides = array<i32>} : memref<8x2048xf32, #tpu.memory_space<vmem>>, vector<16xf32>,
        %get3A_472 = arith.constant 6 : i32
        %get3A_473 = arith.constant 0 : i32
        %get3A_474 = arith.constant 0 : i32
        %get3A_475 = tpu.memref_slice %arg7[%scan3A_235, %get3A_473, %get3A_474] : memref<4x8x2048xf32, #tpu.memory_space<vmem>> -> memref<1x8x2048xf32, #tpu.memory_space<vmem>>
        %get3A_476 = tpu.memref_squeeze %get3A_475 : memref<1x8x2048xf32, #tpu.memory_space<vmem>> -> memref<8x2048xf32, #tpu.memory_space<vmem>>
        %get3A_477 = arith.index_cast %get3A_472 : i32 to index
        %get3A_478 = arith.index_cast %multiple_of3A_423 : i32 to index
        %get3A_479 = tpu.vector_load %get3A_476[%get3A_477, %get3A_478] {strides = array<i32>} : memref<8x2048xf32, #tpu.memory_space<vmem>>, vector<16xf32>,
        %get3A_480 = arith.constant 7 : i32
        %get3A_481 = arith.constant 0 : i32
        %get3A_482 = arith.constant 0 : i32
        %get3A_483 = tpu.memref_slice %arg7[%scan3A_235, %get3A_481, %get3A_482] : memref<4x8x2048xf32, #tpu.memory_space<vmem>> -> memref<1x8x2048xf32, #tpu.memory_space<vmem>>
        %get3A_484 = tpu.memref_squeeze %get3A_483 : memref<1x8x2048xf32, #tpu.memory_space<vmem>> -> memref<8x2048xf32, #tpu.memory_space<vmem>>
        %get3A_485 = arith.index_cast %get3A_480 : i32 to index
        %get3A_486 = arith.index_cast %multiple_of3A_423 : i32 to index
        %get3A_487 = tpu.vector_load %get3A_484[%get3A_485, %get3A_486] {strides = array<i32>} : memref<8x2048xf32, #tpu.memory_space<vmem>>, vector<16xf32>,
        %scatter3A = arith.constant 0 : i32
        %scatter3A_488 = arith.constant 0 : i32
        %scatter3A_489 = tpu.memref_slice %arg8[%select_n3A_201, %scatter3A, %scatter3A_488] : memref<2x8x2048xf32, #tpu.memory_space<vmem>> -> memref<1x8x2048xf32, #tpu.memory_space<vmem>>
        %scatter3A_490 = tpu.memref_squeeze %scatter3A_489 : memref<1x8x2048xf32, #tpu.memory_space<vmem>> -> memref<8x2048xf32, #tpu.memory_space<vmem>>
        tpu.vector_store_idx %scatter3A_490[%broadcast_in_dim3A_3, %scan3A_414], %get3A_431 : memref<8x2048xf32, #tpu.memory_space<vmem>>[vector<16xi32>, vector<16xi32>], vector<16xf32>,
        %scatter3A_491 = arith.constant 0 : i32
        %scatter3A_492 = arith.constant 0 : i32
        %scatter3A_493 = tpu.memref_slice %arg8[%select_n3A_201, %scatter3A_491, %scatter3A_492] : memref<2x8x2048xf32, #tpu.memory_space<vmem>> -> memref<1x8x2048xf32, #tpu.memory_space<vmem>>
        %scatter3A_494 = tpu.memref_squeeze %scatter3A_493 : memref<1x8x2048xf32, #tpu.memory_space<vmem>> -> memref<8x2048xf32, #tpu.memory_space<vmem>>
        tpu.vector_store_idx %scatter3A_494[%broadcast_in_dim3A_5, %scan3A_414], %get3A_439 : memref<8x2048xf32, #tpu.memory_space<vmem>>[vector<16xi32>, vector<16xi32>], vector<16xf32>,
        %scatter3A_495 = arith.constant 0 : i32
        %scatter3A_496 = arith.constant 0 : i32
        %scatter3A_497 = tpu.memref_slice %arg8[%select_n3A_201, %scatter3A_495, %scatter3A_496] : memref<2x8x2048xf32, #tpu.memory_space<vmem>> -> memref<1x8x2048xf32, #tpu.memory_space<vmem>>
        %scatter3A_498 = tpu.memref_squeeze %scatter3A_497 : memref<1x8x2048xf32, #tpu.memory_space<vmem>> -> memref<8x2048xf32, #tpu.memory_space<vmem>>
        tpu.vector_store_idx %scatter3A_498[%broadcast_in_dim3A_7, %scan3A_414], %get3A_447 : memref<8x2048xf32, #tpu.memory_space<vmem>>[vector<16xi32>, vector<16xi32>], vector<16xf32>,
        %scatter3A_499 = arith.constant 0 : i32
        %scatter3A_500 = arith.constant 0 : i32
        %scatter3A_501 = tpu.memref_slice %arg8[%select_n3A_201, %scatter3A_499, %scatter3A_500] : memref<2x8x2048xf32, #tpu.memory_space<vmem>> -> memref<1x8x2048xf32, #tpu.memory_space<vmem>>
        %scatter3A_502 = tpu.memref_squeeze %scatter3A_501 : memref<1x8x2048xf32, #tpu.memory_space<vmem>> -> memref<8x2048xf32, #tpu.memory_space<vmem>>
        tpu.vector_store_idx %scatter3A_502[%broadcast_in_dim3A_9, %scan3A_414], %get3A_455 : memref<8x2048xf32, #tpu.memory_space<vmem>>[vector<16xi32>, vector<16xi32>], vector<16xf32>,
        %scatter3A_503 = arith.constant 0 : i32
        %scatter3A_504 = arith.constant 0 : i32
        %scatter3A_505 = tpu.memref_slice %arg8[%select_n3A_201, %scatter3A_503, %scatter3A_504] : memref<2x8x2048xf32, #tpu.memory_space<vmem>> -> memref<1x8x2048xf32, #tpu.memory_space<vmem>>
        %scatter3A_506 = tpu.memref_squeeze %scatter3A_505 : memref<1x8x2048xf32, #tpu.memory_space<vmem>> -> memref<8x2048xf32, #tpu.memory_space<vmem>>
        tpu.vector_store_idx %scatter3A_506[%broadcast_in_dim3A_11, %scan3A_414], %get3A_463 : memref<8x2048xf32, #tpu.memory_space<vmem>>[vector<16xi32>, vector<16xi32>], vector<16xf32>,
        %scatter3A_507 = arith.constant 0 : i32
        %scatter3A_508 = arith.constant 0 : i32
        %scatter3A_509 = tpu.memref_slice %arg8[%select_n3A_201, %scatter3A_507, %scatter3A_508] : memref<2x8x2048xf32, #tpu.memory_space<vmem>> -> memref<1x8x2048xf32, #tpu.memory_space<vmem>>
        %scatter3A_510 = tpu.memref_squeeze %scatter3A_509 : memref<1x8x2048xf32, #tpu.memory_space<vmem>> -> memref<8x2048xf32, #tpu.memory_space<vmem>>
        tpu.vector_store_idx %scatter3A_510[%broadcast_in_dim3A_13, %scan3A_414], %get3A_471 : memref<8x2048xf32, #tpu.memory_space<vmem>>[vector<16xi32>, vector<16xi32>], vector<16xf32>,
        %scatter3A_511 = arith.constant 0 : i32
        %scatter3A_512 = arith.constant 0 : i32
        %scatter3A_513 = tpu.memref_slice %arg8[%select_n3A_201, %scatter3A_511, %scatter3A_512] : memref<2x8x2048xf32, #tpu.memory_space<vmem>> -> memref<1x8x2048xf32, #tpu.memory_space<vmem>>
        %scatter3A_514 = tpu.memref_squeeze %scatter3A_513 : memref<1x8x2048xf32, #tpu.memory_space<vmem>> -> memref<8x2048xf32, #tpu.memory_space<vmem>>
        tpu.vector_store_idx %scatter3A_514[%broadcast_in_dim3A_15, %scan3A_414], %get3A_479 : memref<8x2048xf32, #tpu.memory_space<vmem>>[vector<16xi32>, vector<16xi32>], vector<16xf32>,
        %scatter3A_515 = arith.constant 0 : i32
        %scatter3A_516 = arith.constant 0 : i32
        %scatter3A_517 = tpu.memref_slice %arg8[%select_n3A_201, %scatter3A_515, %scatter3A_516] : memref<2x8x2048xf32, #tpu.memory_space<vmem>> -> memref<1x8x2048xf32, #tpu.memory_space<vmem>>
        %scatter3A_518 = tpu.memref_squeeze %scatter3A_517 : memref<1x8x2048xf32, #tpu.memory_space<vmem>> -> memref<8x2048xf32, #tpu.memory_space<vmem>>
        tpu.vector_store_idx %scatter3A_518[%broadcast_in_dim3A_17, %scan3A_414], %get3A_487 : memref<8x2048xf32, #tpu.memory_space<vmem>>[vector<16xi32>, vector<16xi32>], vector<16xf32>,
        %scan3A_519 = arith.constant 1 : i32
        %scan3A_520 = arith.addi %scan3A_413, %scan3A_519 : i32
        %mul3A_521 = arith.constant 16 : i32
        %mul3A_522 = arith.muli %scan3A_520, %mul3A_521 : i32
        %add3A_523 = arith.constant 16 : i32
        %add3A_524 = arith.addi %mul3A_522, %add3A_523 : i32
        %multiple_of3A_525 = tpu.assume_multiple %add3A_524, 16 : i32
        %get3A_526 = arith.index_cast %multiple_of3A_525 : i32 to index
        %get3A_527 = tpu.vector_load %arg5[%get3A_526] {strides = array<i32>} : memref<2064xi32, #tpu.memory_space<vmem>>, vector<16xi32>,
        %mul3A_528 = arith.constant 16 : i32
        %mul3A_529 = arith.muli %scan3A_520, %mul3A_528 : i32
        %multiple_of3A_530 = tpu.assume_multiple %mul3A_529, 16 : i32
        %get3A_531 = arith.constant 0 : i32
        %get3A_532 = arith.constant 0 : i32
        %get3A_533 = arith.constant 0 : i32
        %get3A_534 = tpu.memref_slice %arg7[%scan3A_235, %get3A_532, %get3A_533] : memref<4x8x2048xf32, #tpu.memory_space<vmem>> -> memref<1x8x2048xf32, #tpu.memory_space<vmem>>
        %get3A_535 = tpu.memref_squeeze %get3A_534 : memref<1x8x2048xf32, #tpu.memory_space<vmem>> -> memref<8x2048xf32, #tpu.memory_space<vmem>>
        %get3A_536 = arith.index_cast %get3A_531 : i32 to index
        %get3A_537 = arith.index_cast %multiple_of3A_530 : i32 to index
        %get3A_538 = tpu.vector_load %get3A_535[%get3A_536, %get3A_537] {strides = array<i32>} : memref<8x2048xf32, #tpu.memory_space<vmem>>, vector<16xf32>,
        %get3A_539 = arith.constant 1 : i32
        %get3A_540 = arith.constant 0 : i32
        %get3A_541 = arith.constant 0 : i32
        %get3A_542 = tpu.memref_slice %arg7[%scan3A_235, %get3A_540, %get3A_541] : memref<4x8x2048xf32, #tpu.memory_space<vmem>> -> memref<1x8x2048xf32, #tpu.memory_space<vmem>>
        %get3A_543 = tpu.memref_squeeze %get3A_542 : memref<1x8x2048xf32, #tpu.memory_space<vmem>> -> memref<8x2048xf32, #tpu.memory_space<vmem>>
        %get3A_544 = arith.index_cast %get3A_539 : i32 to index
        %get3A_545 = arith.index_cast %multiple_of3A_530 : i32 to index
        %get3A_546 = tpu.vector_load %get3A_543[%get3A_544, %get3A_545] {strides = array<i32>} : memref<8x2048xf32, #tpu.memory_space<vmem>>, vector<16xf32>,
        %get3A_547 = arith.constant 2 : i32
        %get3A_548 = arith.constant 0 : i32
        %get3A_549 = arith.constant 0 : i32
        %get3A_550 = tpu.memref_slice %arg7[%scan3A_235, %get3A_548, %get3A_549] : memref<4x8x2048xf32, #tpu.memory_space<vmem>> -> memref<1x8x2048xf32, #tpu.memory_space<vmem>>
        %get3A_551 = tpu.memref_squeeze %get3A_550 : memref<1x8x2048xf32, #tpu.memory_space<vmem>> -> memref<8x2048xf32, #tpu.memory_space<vmem>>
        %get3A_552 = arith.index_cast %get3A_547 : i32 to index
        %get3A_553 = arith.index_cast %multiple_of3A_530 : i32 to index
        %get3A_554 = tpu.vector_load %get3A_551[%get3A_552, %get3A_553] {strides = array<i32>} : memref<8x2048xf32, #tpu.memory_space<vmem>>, vector<16xf32>,
        %get3A_555 = arith.constant 3 : i32
        %get3A_556 = arith.constant 0 : i32
        %get3A_557 = arith.constant 0 : i32
        %get3A_558 = tpu.memref_slice %arg7[%scan3A_235, %get3A_556, %get3A_557] : memref<4x8x2048xf32, #tpu.memory_space<vmem>> -> memref<1x8x2048xf32, #tpu.memory_space<vmem>>
        %get3A_559 = tpu.memref_squeeze %get3A_558 : memref<1x8x2048xf32, #tpu.memory_space<vmem>> -> memref<8x2048xf32, #tpu.memory_space<vmem>>
        %get3A_560 = arith.index_cast %get3A_555 : i32 to index
        %get3A_561 = arith.index_cast %multiple_of3A_530 : i32 to index
        %get3A_562 = tpu.vector_load %get3A_559[%get3A_560, %get3A_561] {strides = array<i32>} : memref<8x2048xf32, #tpu.memory_space<vmem>>, vector<16xf32>,
        %get3A_563 = arith.constant 4 : i32
        %get3A_564 = arith.constant 0 : i32
        %get3A_565 = arith.constant 0 : i32
        %get3A_566 = tpu.memref_slice %arg7[%scan3A_235, %get3A_564, %get3A_565] : memref<4x8x2048xf32, #tpu.memory_space<vmem>> -> memref<1x8x2048xf32, #tpu.memory_space<vmem>>
        %get3A_567 = tpu.memref_squeeze %get3A_566 : memref<1x8x2048xf32, #tpu.memory_space<vmem>> -> memref<8x2048xf32, #tpu.memory_space<vmem>>
        %get3A_568 = arith.index_cast %get3A_563 : i32 to index
        %get3A_569 = arith.index_cast %multiple_of3A_530 : i32 to index
        %get3A_570 = tpu.vector_load %get3A_567[%get3A_568, %get3A_569] {strides = array<i32>} : memref<8x2048xf32, #tpu.memory_space<vmem>>, vector<16xf32>,
        %get3A_571 = arith.constant 5 : i32
        %get3A_572 = arith.constant 0 : i32
        %get3A_573 = arith.constant 0 : i32
        %get3A_574 = tpu.memref_slice %arg7[%scan3A_235, %get3A_572, %get3A_573] : memref<4x8x2048xf32, #tpu.memory_space<vmem>> -> memref<1x8x2048xf32, #tpu.memory_space<vmem>>
        %get3A_575 = tpu.memref_squeeze %get3A_574 : memref<1x8x2048xf32, #tpu.memory_space<vmem>> -> memref<8x2048xf32, #tpu.memory_space<vmem>>
        %get3A_576 = arith.index_cast %get3A_571 : i32 to index
        %get3A_577 = arith.index_cast %multiple_of3A_530 : i32 to index
        %get3A_578 = tpu.vector_load %get3A_575[%get3A_576, %get3A_577] {strides = array<i32>} : memref<8x2048xf32, #tpu.memory_space<vmem>>, vector<16xf32>,
        %get3A_579 = arith.constant 6 : i32
        %get3A_580 = arith.constant 0 : i32
        %get3A_581 = arith.constant 0 : i32
        %get3A_582 = tpu.memref_slice %arg7[%scan3A_235, %get3A_580, %get3A_581] : memref<4x8x2048xf32, #tpu.memory_space<vmem>> -> memref<1x8x2048xf32, #tpu.memory_space<vmem>>
        %get3A_583 = tpu.memref_squeeze %get3A_582 : memref<1x8x2048xf32, #tpu.memory_space<vmem>> -> memref<8x2048xf32, #tpu.memory_space<vmem>>
        %get3A_584 = arith.index_cast %get3A_579 : i32 to index
        %get3A_585 = arith.index_cast %multiple_of3A_530 : i32 to index
        %get3A_586 = tpu.vector_load %get3A_583[%get3A_584, %get3A_585] {strides = array<i32>} : memref<8x2048xf32, #tpu.memory_space<vmem>>, vector<16xf32>,
        %get3A_587 = arith.constant 7 : i32
        %get3A_588 = arith.constant 0 : i32
        %get3A_589 = arith.constant 0 : i32
        %get3A_590 = tpu.memref_slice %arg7[%scan3A_235, %get3A_588, %get3A_589] : memref<4x8x2048xf32, #tpu.memory_space<vmem>> -> memref<1x8x2048xf32, #tpu.memory_space<vmem>>
        %get3A_591 = tpu.memref_squeeze %get3A_590 : memref<1x8x2048xf32, #tpu.memory_space<vmem>> -> memref<8x2048xf32, #tpu.memory_space<vmem>>
        %get3A_592 = arith.index_cast %get3A_587 : i32 to index
        %get3A_593 = arith.index_cast %multiple_of3A_530 : i32 to index
        %get3A_594 = tpu.vector_load %get3A_591[%get3A_592, %get3A_593] {strides = array<i32>} : memref<8x2048xf32, #tpu.memory_space<vmem>>, vector<16xf32>,
        %scatter3A_595 = arith.constant 0 : i32
        %scatter3A_596 = arith.constant 0 : i32
        %scatter3A_597 = tpu.memref_slice %arg8[%select_n3A_201, %scatter3A_595, %scatter3A_596] : memref<2x8x2048xf32, #tpu.memory_space<vmem>> -> memref<1x8x2048xf32, #tpu.memory_space<vmem>>
        %scatter3A_598 = tpu.memref_squeeze %scatter3A_597 : memref<1x8x2048xf32, #tpu.memory_space<vmem>> -> memref<8x2048xf32, #tpu.memory_space<vmem>>
        tpu.vector_store_idx %scatter3A_598[%broadcast_in_dim3A_3, %get3A_420], %get3A_538 : memref<8x2048xf32, #tpu.memory_space<vmem>>[vector<16xi32>, vector<16xi32>], vector<16xf32>,
        %scatter3A_599 = arith.constant 0 : i32
        %scatter3A_600 = arith.constant 0 : i32
        %scatter3A_601 = tpu.memref_slice %arg8[%select_n3A_201, %scatter3A_599, %scatter3A_600] : memref<2x8x2048xf32, #tpu.memory_space<vmem>> -> memref<1x8x2048xf32, #tpu.memory_space<vmem>>
        %scatter3A_602 = tpu.memref_squeeze %scatter3A_601 : memref<1x8x2048xf32, #tpu.memory_space<vmem>> -> memref<8x2048xf32, #tpu.memory_space<vmem>>
        tpu.vector_store_idx %scatter3A_602[%broadcast_in_dim3A_5, %get3A_420], %get3A_546 : memref<8x2048xf32, #tpu.memory_space<vmem>>[vector<16xi32>, vector<16xi32>], vector<16xf32>,
        %scatter3A_603 = arith.constant 0 : i32
        %scatter3A_604 = arith.constant 0 : i32
        %scatter3A_605 = tpu.memref_slice %arg8[%select_n3A_201, %scatter3A_603, %scatter3A_604] : memref<2x8x2048xf32, #tpu.memory_space<vmem>> -> memref<1x8x2048xf32, #tpu.memory_space<vmem>>
        %scatter3A_606 = tpu.memref_squeeze %scatter3A_605 : memref<1x8x2048xf32, #tpu.memory_space<vmem>> -> memref<8x2048xf32, #tpu.memory_space<vmem>>
        tpu.vector_store_idx %scatter3A_606[%broadcast_in_dim3A_7, %get3A_420], %get3A_554 : memref<8x2048xf32, #tpu.memory_space<vmem>>[vector<16xi32>, vector<16xi32>], vector<16xf32>,
        %scatter3A_607 = arith.constant 0 : i32
        %scatter3A_608 = arith.constant 0 : i32
        %scatter3A_609 = tpu.memref_slice %arg8[%select_n3A_201, %scatter3A_607, %scatter3A_608] : memref<2x8x2048xf32, #tpu.memory_space<vmem>> -> memref<1x8x2048xf32, #tpu.memory_space<vmem>>
        %scatter3A_610 = tpu.memref_squeeze %scatter3A_609 : memref<1x8x2048xf32, #tpu.memory_space<vmem>> -> memref<8x2048xf32, #tpu.memory_space<vmem>>
        tpu.vector_store_idx %scatter3A_610[%broadcast_in_dim3A_9, %get3A_420], %get3A_562 : memref<8x2048xf32, #tpu.memory_space<vmem>>[vector<16xi32>, vector<16xi32>], vector<16xf32>,
        %scatter3A_611 = arith.constant 0 : i32
        %scatter3A_612 = arith.constant 0 : i32
        %scatter3A_613 = tpu.memref_slice %arg8[%select_n3A_201, %scatter3A_611, %scatter3A_612] : memref<2x8x2048xf32, #tpu.memory_space<vmem>> -> memref<1x8x2048xf32, #tpu.memory_space<vmem>>
        %scatter3A_614 = tpu.memref_squeeze %scatter3A_613 : memref<1x8x2048xf32, #tpu.memory_space<vmem>> -> memref<8x2048xf32, #tpu.memory_space<vmem>>
        tpu.vector_store_idx %scatter3A_614[%broadcast_in_dim3A_11, %get3A_420], %get3A_570 : memref<8x2048xf32, #tpu.memory_space<vmem>>[vector<16xi32>, vector<16xi32>], vector<16xf32>,
        %scatter3A_615 = arith.constant 0 : i32
        %scatter3A_616 = arith.constant 0 : i32
        %scatter3A_617 = tpu.memref_slice %arg8[%select_n3A_201, %scatter3A_615, %scatter3A_616] : memref<2x8x2048xf32, #tpu.memory_space<vmem>> -> memref<1x8x2048xf32, #tpu.memory_space<vmem>>
        %scatter3A_618 = tpu.memref_squeeze %scatter3A_617 : memref<1x8x2048xf32, #tpu.memory_space<vmem>> -> memref<8x2048xf32, #tpu.memory_space<vmem>>
        tpu.vector_store_idx %scatter3A_618[%broadcast_in_dim3A_13, %get3A_420], %get3A_578 : memref<8x2048xf32, #tpu.memory_space<vmem>>[vector<16xi32>, vector<16xi32>], vector<16xf32>,
        %scatter3A_619 = arith.constant 0 : i32
        %scatter3A_620 = arith.constant 0 : i32
        %scatter3A_621 = tpu.memref_slice %arg8[%select_n3A_201, %scatter3A_619, %scatter3A_620] : memref<2x8x2048xf32, #tpu.memory_space<vmem>> -> memref<1x8x2048xf32, #tpu.memory_space<vmem>>
        %scatter3A_622 = tpu.memref_squeeze %scatter3A_621 : memref<1x8x2048xf32, #tpu.memory_space<vmem>> -> memref<8x2048xf32, #tpu.memory_space<vmem>>
        tpu.vector_store_idx %scatter3A_622[%broadcast_in_dim3A_15, %get3A_420], %get3A_586 : memref<8x2048xf32, #tpu.memory_space<vmem>>[vector<16xi32>, vector<16xi32>], vector<16xf32>,
        %scatter3A_623 = arith.constant 0 : i32
        %scatter3A_624 = arith.constant 0 : i32
        %scatter3A_625 = tpu.memref_slice %arg8[%select_n3A_201, %scatter3A_623, %scatter3A_624] : memref<2x8x2048xf32, #tpu.memory_space<vmem>> -> memref<1x8x2048xf32, #tpu.memory_space<vmem>>
        %scatter3A_626 = tpu.memref_squeeze %scatter3A_625 : memref<1x8x2048xf32, #tpu.memory_space<vmem>> -> memref<8x2048xf32, #tpu.memory_space<vmem>>
        tpu.vector_store_idx %scatter3A_626[%broadcast_in_dim3A_17, %get3A_420], %get3A_594 : memref<8x2048xf32, #tpu.memory_space<vmem>>[vector<16xi32>, vector<16xi32>], vector<16xf32>,
        scf.yield %get3A_527 : vector<16xi32>
      }
      %scan3A_241 = arith.constant 128 : i32
      %mul3A_242 = arith.constant 8 : i32
      %mul3A_243 = arith.muli %add3A_185, %mul3A_242 : i32
      %add3A_244 = arith.addi %mul3A_2, %mul3A_243 : i32
      %dma_start3A_245 = arith.constant 0 : i32
      %dma_start3A_246 = arith.constant 0 : i32
      %dma_start3A_247 = tpu.memref_slice %arg8[%select_n3A_201, %dma_start3A_245, %dma_start3A_246] : memref<2x8x2048xf32, #tpu.memory_space<vmem>> -> memref<1x8x2048xf32, #tpu.memory_space<vmem>>
      %dma_start3A_248 = tpu.memref_squeeze %dma_start3A_247 : memref<1x8x2048xf32, #tpu.memory_space<vmem>> -> memref<8x2048xf32, #tpu.memory_space<vmem>>
      %dma_start3A_249 = arith.constant 0 : i32
      %dma_start3A_250 = tpu.memref_slice %arg4[%add3A_244, %dma_start3A_249] : memref<16384x2048xf32, #tpu.memory_space<hbm>> -> memref<8x2048xf32, #tpu.memory_space<hbm>>
      %dma_start3A_251 = tpu.memref_slice %arg10[%select_n3A_201] : memref<2x!tpu.dma_semaphore, #tpu.memory_space<semaphore_mem>> -> memref<1x!tpu.dma_semaphore, #tpu.memory_space<semaphore_mem>>
      %dma_start3A_252 = tpu.memref_squeeze %dma_start3A_251 : memref<1x!tpu.dma_semaphore, #tpu.memory_space<semaphore_mem>> -> memref<!tpu.dma_semaphore, #tpu.memory_space<semaphore_mem>>
      %dma_start3A_253 = arith.constant 0 : i32
      %dma_start3A_254 = tpu.memref_slice %arg4[%add3A_244, %dma_start3A_253] : memref<16384x2048xf32, #tpu.memory_space<hbm>> -> memref<8x2048xf32, #tpu.memory_space<hbm>>
      %dma_start3A_255 = arith.constant 0 : i32
      %dma_start3A_256 = arith.constant 0 : i32
      %dma_start3A_257 = tpu.memref_slice %arg8[%select_n3A_201, %dma_start3A_255, %dma_start3A_256] : memref<2x8x2048xf32, #tpu.memory_space<vmem>> -> memref<1x8x2048xf32, #tpu.memory_space<vmem>>
      %dma_start3A_258 = tpu.memref_squeeze %dma_start3A_257 : memref<1x8x2048xf32, #tpu.memory_space<vmem>> -> memref<8x2048xf32, #tpu.memory_space<vmem>>
      tpu.enqueue_dma source(%dma_start3A_258 : memref<8x2048xf32, #tpu.memory_space<vmem>>) target(%dma_start3A_254 : memref<8x2048xf32, #tpu.memory_space<hbm>>) target_semaphore(%dma_start3A_252 : memref<!tpu.dma_semaphore, #tpu.memory_space<semaphore_mem>>)
      %mul3A_259 = arith.constant 4 : i32
      %mul3A_260 = arith.muli %mul3A_259, %scan3A_115 : i32
      %add3A_261 = arith.constant 2 : i32
      %add3A_262 = arith.addi %mul3A_260, %add3A_261 : i32
      %jit3A_263 = arith.constant 2 : i32
      %eq3A_264 = arith.constant 0 : i32
      %eq3A_265 = arith.cmpi eq, %jit3A_263, %eq3A_264 : i32
      %jit3A_266 = arith.constant 1 : i32
      %select_n3A_267 = arith.select %eq3A_265, %jit3A_266, %jit3A_263 : i32
      %rem3A_268 = arith.remsi %add3A_262, %select_n3A_267 : i32
      %ne3A_269 = arith.constant 0 : i32
      %ne3A_270 = arith.cmpi ne, %rem3A_268, %ne3A_269 : i32
      %lt3A_271 = arith.constant 0 : i32
      %lt3A_272 = arith.cmpi slt, %rem3A_268, %lt3A_271 : i32
      %lt3A_273 = arith.constant 0 : i32
      %lt3A_274 = arith.cmpi slt, %select_n3A_267, %lt3A_273 : i32
      %ne3A_275 = arith.xori %lt3A_272, %lt3A_274 : i1
      %and3A_276 = arith.andi %ne3A_275, %ne3A_270 : i1
      %add3A_277 = arith.addi %rem3A_268, %select_n3A_267 : i32
      %select_n3A_278 = arith.select %and3A_276, %add3A_277, %rem3A_268 : i32
      %mul3A_279 = arith.constant 8 : i32
      %mul3A_280 = arith.muli %add3A_262, %mul3A_279 : i32
      %add3A_281 = arith.addi %mul3A_2, %mul3A_280 : i32
      %dma_wait3A_282 = arith.constant 2 : i32
      %dma_wait3A_283 = arith.constant 2 : i32
      %dma_wait3A_284 = arith.constant 0 : i32
      %dma_wait3A_285 = arith.constant 0 : i32
      %dma_wait3A_286 = tpu.memref_slice %arg7[%dma_wait3A_282, %dma_wait3A_284, %dma_wait3A_285] : memref<4x8x2048xf32, #tpu.memory_space<vmem>> -> memref<1x8x2048xf32, #tpu.memory_space<vmem>>
      %dma_wait3A_287 = tpu.memref_squeeze %dma_wait3A_286 : memref<1x8x2048xf32, #tpu.memory_space<vmem>> -> memref<8x2048xf32, #tpu.memory_space<vmem>>
      %dma_wait3A_288 = arith.constant 0 : i32
      %dma_wait3A_289 = tpu.memref_slice %arg2[%add3A_281, %dma_wait3A_288] : memref<16384x2048xf32, #tpu.memory_space<hbm>> -> memref<8x2048xf32, #tpu.memory_space<hbm>>
      %dma_wait3A_290 = tpu.memref_slice %arg9[%dma_wait3A_283] : memref<4x!tpu.dma_semaphore, #tpu.memory_space<semaphore_mem>> -> memref<1x!tpu.dma_semaphore, #tpu.memory_space<semaphore_mem>>
      %dma_wait3A_291 = tpu.memref_squeeze %dma_wait3A_290 : memref<1x!tpu.dma_semaphore, #tpu.memory_space<semaphore_mem>> -> memref<!tpu.dma_semaphore, #tpu.memory_space<semaphore_mem>>
      %dma_wait3A_292 = arith.constant 0 : i32
      %dma_wait3A_293 = arith.constant 0 : i32
      %dma_wait3A_294 = tpu.memref_slice %arg7[%dma_wait3A_282, %dma_wait3A_292, %dma_wait3A_293] : memref<4x8x2048xf32, #tpu.memory_space<vmem>> -> memref<1x8x2048xf32, #tpu.memory_space<vmem>>
      %dma_wait3A_295 = tpu.memref_squeeze %dma_wait3A_294 : memref<1x8x2048xf32, #tpu.memory_space<vmem>> -> memref<8x2048xf32, #tpu.memory_space<vmem>>
      %dma_wait3A_296 = arith.constant 0 : i32
      %dma_wait3A_297 = tpu.memref_slice %arg2[%add3A_281, %dma_wait3A_296] : memref<16384x2048xf32, #tpu.memory_space<hbm>> -> memref<8x2048xf32, #tpu.memory_space<hbm>>
      tpu.wait_dma2 semaphore(%dma_wait3A_291 : memref<!tpu.dma_semaphore, #tpu.memory_space<semaphore_mem>>) src(%dma_wait3A_297 : memref<8x2048xf32, #tpu.memory_space<hbm>>) dst(%dma_wait3A_295 : memref<8x2048xf32, #tpu.memory_space<vmem>>)
      %add3A_298 = arith.constant 3 : i32
      %add3A_299 = arith.addi %add3A_262, %add3A_298 : i32
      %lt3A_300 = arith.constant 64 : i32
      %lt3A_301 = arith.cmpi slt, %add3A_299, %lt3A_300 : i32
      %convert_element_type3A_302 = arith.extui %lt3A_301 : i1 to i32
      %cond3A_303 = arith.constant 0 : i32
      %cond3A_304 = arith.cmpi ne, %convert_element_type3A_302, %cond3A_303 : i32
      scf.if %cond3A_304 {
        %add3A_413 = arith.constant 3 : i32
        %add3A_414 = arith.addi %add3A_262, %add3A_413 : i32
        %mul3A_415 = arith.constant 8 : i32
        %mul3A_416 = arith.muli %add3A_414, %mul3A_415 : i32
        %add3A_417 = arith.addi %mul3A_2, %mul3A_416 : i32
        %dma_start3A_418 = arith.constant 1 : i32
        %dma_start3A_419 = arith.constant 1 : i32
        %dma_start3A_420 = arith.constant 0 : i32
        %dma_start3A_421 = arith.constant 0 : i32
        %dma_start3A_422 = tpu.memref_slice %arg7[%dma_start3A_418, %dma_start3A_420, %dma_start3A_421] : memref<4x8x2048xf32, #tpu.memory_space<vmem>> -> memref<1x8x2048xf32, #tpu.memory_space<vmem>>
        %dma_start3A_423 = tpu.memref_squeeze %dma_start3A_422 : memref<1x8x2048xf32, #tpu.memory_space<vmem>> -> memref<8x2048xf32, #tpu.memory_space<vmem>>
        %dma_start3A_424 = arith.constant 0 : i32
        %dma_start3A_425 = tpu.memref_slice %arg2[%add3A_417, %dma_start3A_424] : memref<16384x2048xf32, #tpu.memory_space<hbm>> -> memref<8x2048xf32, #tpu.memory_space<hbm>>
        %dma_start3A_426 = tpu.memref_slice %arg9[%dma_start3A_419] : memref<4x!tpu.dma_semaphore, #tpu.memory_space<semaphore_mem>> -> memref<1x!tpu.dma_semaphore, #tpu.memory_space<semaphore_mem>>
        %dma_start3A_427 = tpu.memref_squeeze %dma_start3A_426 : memref<1x!tpu.dma_semaphore, #tpu.memory_space<semaphore_mem>> -> memref<!tpu.dma_semaphore, #tpu.memory_space<semaphore_mem>>
        %dma_start3A_428 = arith.constant 0 : i32
        %dma_start3A_429 = arith.constant 0 : i32
        %dma_start3A_430 = tpu.memref_slice %arg7[%dma_start3A_418, %dma_start3A_428, %dma_start3A_429] : memref<4x8x2048xf32, #tpu.memory_space<vmem>> -> memref<1x8x2048xf32, #tpu.memory_space<vmem>>
        %dma_start3A_431 = tpu.memref_squeeze %dma_start3A_430 : memref<1x8x2048xf32, #tpu.memory_space<vmem>> -> memref<8x2048xf32, #tpu.memory_space<vmem>>
        %dma_start3A_432 = arith.constant 0 : i32
        %dma_start3A_433 = tpu.memref_slice %arg2[%add3A_417, %dma_start3A_432] : memref<16384x2048xf32, #tpu.memory_space<hbm>> -> memref<8x2048xf32, #tpu.memory_space<hbm>>
        tpu.enqueue_dma source(%dma_start3A_433 : memref<8x2048xf32, #tpu.memory_space<hbm>>) target(%dma_start3A_431 : memref<8x2048xf32, #tpu.memory_space<vmem>>) target_semaphore(%dma_start3A_427 : memref<!tpu.dma_semaphore, #tpu.memory_space<semaphore_mem>>)
      } else {
      }
      %ge3A_305 = arith.constant 2 : i32
      %ge3A_306 = arith.cmpi sge, %add3A_262, %ge3A_305 : i32
      %convert_element_type3A_307 = arith.extui %ge3A_306 : i1 to i32
      %cond3A_308 = arith.constant 0 : i32
      %cond3A_309 = arith.cmpi ne, %convert_element_type3A_307, %cond3A_308 : i32
      scf.if %cond3A_309 {
        %sub3A = arith.constant 2 : i32
        %sub3A_413 = arith.subi %add3A_262, %sub3A : i32
        %mul3A_414 = arith.constant 8 : i32
        %mul3A_415 = arith.muli %sub3A_413, %mul3A_414 : i32
        %add3A_416 = arith.addi %mul3A_2, %mul3A_415 : i32
        %dma_wait3A_417 = arith.constant 0 : i32
        %dma_wait3A_418 = arith.constant 0 : i32
        %dma_wait3A_419 = tpu.memref_slice %arg8[%select_n3A_278, %dma_wait3A_417, %dma_wait3A_418] : memref<2x8x2048xf32, #tpu.memory_space<vmem>> -> memref<1x8x2048xf32, #tpu.memory_space<vmem>>
        %dma_wait3A_420 = tpu.memref_squeeze %dma_wait3A_419 : memref<1x8x2048xf32, #tpu.memory_space<vmem>> -> memref<8x2048xf32, #tpu.memory_space<vmem>>
        %dma_wait3A_421 = arith.constant 0 : i32
        %dma_wait3A_422 = tpu.memref_slice %arg4[%add3A_416, %dma_wait3A_421] : memref<16384x2048xf32, #tpu.memory_space<hbm>> -> memref<8x2048xf32, #tpu.memory_space<hbm>>
        %dma_wait3A_423 = tpu.memref_slice %arg10[%select_n3A_278] : memref<2x!tpu.dma_semaphore, #tpu.memory_space<semaphore_mem>> -> memref<1x!tpu.dma_semaphore, #tpu.memory_space<semaphore_mem>>
        %dma_wait3A_424 = tpu.memref_squeeze %dma_wait3A_423 : memref<1x!tpu.dma_semaphore, #tpu.memory_space<semaphore_mem>> -> memref<!tpu.dma_semaphore, #tpu.memory_space<semaphore_mem>>
        %dma_wait3A_425 = arith.constant 0 : i32
        %dma_wait3A_426 = tpu.memref_slice %arg4[%add3A_416, %dma_wait3A_425] : memref<16384x2048xf32, #tpu.memory_space<hbm>> -> memref<8x2048xf32, #tpu.memory_space<hbm>>
        %dma_wait3A_427 = arith.constant 0 : i32
        %dma_wait3A_428 = arith.constant 0 : i32
        %dma_wait3A_429 = tpu.memref_slice %arg8[%select_n3A_278, %dma_wait3A_427, %dma_wait3A_428] : memref<2x8x2048xf32, #tpu.memory_space<vmem>> -> memref<1x8x2048xf32, #tpu.memory_space<vmem>>
        %dma_wait3A_430 = tpu.memref_squeeze %dma_wait3A_429 : memref<1x8x2048xf32, #tpu.memory_space<vmem>> -> memref<8x2048xf32, #tpu.memory_space<vmem>>
        tpu.wait_dma2 semaphore(%dma_wait3A_424 : memref<!tpu.dma_semaphore, #tpu.memory_space<semaphore_mem>>) src(%dma_wait3A_430 : memref<8x2048xf32, #tpu.memory_space<vmem>>) dst(%dma_wait3A_426 : memref<8x2048xf32, #tpu.memory_space<hbm>>)
      } else {
      }
      %get3A_310 = arith.constant 0 : index
      %get3A_311 = tpu.vector_load %arg5[%get3A_310] {strides = array<i32>} : memref<2064xi32, #tpu.memory_space<vmem>>, vector<16xi32>,
      %scan3A_312 = arith.constant 2 : i32
      %scan3A_313 = arith.constant 0 : i32
      %scan3A_314 = arith.constant 128 : i32
      %scan3A_315 = arith.addi %scan3A_313, %scan3A_314 : i32
      %scan3A_316 = arith.constant 2 : i32
      %scan3A_317 = scf.for %scan3A_413 = %scan3A_313 to %scan3A_315 step %scan3A_316 iter_args(%scan3A_414 = %get3A_311) -> (vector<16xi32>)  : i32 {
        %mul3A_415 = arith.constant 16 : i32
        %mul3A_416 = arith.muli %scan3A_413, %mul3A_415 : i32
        %add3A_417 = arith.constant 16 : i32
        %add3A_418 = arith.addi %mul3A_416, %add3A_417 : i32
        %multiple_of3A = tpu.assume_multiple %add3A_418, 16 : i32
        %get3A_419 = arith.index_cast %multiple_of3A : i32 to index
        %get3A_420 = tpu.vector_load %arg5[%get3A_419] {strides = array<i32>} : memref<2064xi32, #tpu.memory_space<vmem>>, vector<16xi32>,
        %mul3A_421 = arith.constant 16 : i32
        %mul3A_422 = arith.muli %scan3A_413, %mul3A_421 : i32
        %multiple_of3A_423 = tpu.assume_multiple %mul3A_422, 16 : i32
        %get3A_424 = arith.constant 0 : i32
        %get3A_425 = arith.constant 0 : i32
        %get3A_426 = arith.constant 0 : i32
        %get3A_427 = tpu.memref_slice %arg7[%scan3A_312, %get3A_425, %get3A_426] : memref<4x8x2048xf32, #tpu.memory_space<vmem>> -> memref<1x8x2048xf32, #tpu.memory_space<vmem>>
        %get3A_428 = tpu.memref_squeeze %get3A_427 : memref<1x8x2048xf32, #tpu.memory_space<vmem>> -> memref<8x2048xf32, #tpu.memory_space<vmem>>
        %get3A_429 = arith.index_cast %get3A_424 : i32 to index
        %get3A_430 = arith.index_cast %multiple_of3A_423 : i32 to index
        %get3A_431 = tpu.vector_load %get3A_428[%get3A_429, %get3A_430] {strides = array<i32>} : memref<8x2048xf32, #tpu.memory_space<vmem>>, vector<16xf32>,
        %get3A_432 = arith.constant 1 : i32
        %get3A_433 = arith.constant 0 : i32
        %get3A_434 = arith.constant 0 : i32
        %get3A_435 = tpu.memref_slice %arg7[%scan3A_312, %get3A_433, %get3A_434] : memref<4x8x2048xf32, #tpu.memory_space<vmem>> -> memref<1x8x2048xf32, #tpu.memory_space<vmem>>
        %get3A_436 = tpu.memref_squeeze %get3A_435 : memref<1x8x2048xf32, #tpu.memory_space<vmem>> -> memref<8x2048xf32, #tpu.memory_space<vmem>>
        %get3A_437 = arith.index_cast %get3A_432 : i32 to index
        %get3A_438 = arith.index_cast %multiple_of3A_423 : i32 to index
        %get3A_439 = tpu.vector_load %get3A_436[%get3A_437, %get3A_438] {strides = array<i32>} : memref<8x2048xf32, #tpu.memory_space<vmem>>, vector<16xf32>,
        %get3A_440 = arith.constant 2 : i32
        %get3A_441 = arith.constant 0 : i32
        %get3A_442 = arith.constant 0 : i32
        %get3A_443 = tpu.memref_slice %arg7[%scan3A_312, %get3A_441, %get3A_442] : memref<4x8x2048xf32, #tpu.memory_space<vmem>> -> memref<1x8x2048xf32, #tpu.memory_space<vmem>>
        %get3A_444 = tpu.memref_squeeze %get3A_443 : memref<1x8x2048xf32, #tpu.memory_space<vmem>> -> memref<8x2048xf32, #tpu.memory_space<vmem>>
        %get3A_445 = arith.index_cast %get3A_440 : i32 to index
        %get3A_446 = arith.index_cast %multiple_of3A_423 : i32 to index
        %get3A_447 = tpu.vector_load %get3A_444[%get3A_445, %get3A_446] {strides = array<i32>} : memref<8x2048xf32, #tpu.memory_space<vmem>>, vector<16xf32>,
        %get3A_448 = arith.constant 3 : i32
        %get3A_449 = arith.constant 0 : i32
        %get3A_450 = arith.constant 0 : i32
        %get3A_451 = tpu.memref_slice %arg7[%scan3A_312, %get3A_449, %get3A_450] : memref<4x8x2048xf32, #tpu.memory_space<vmem>> -> memref<1x8x2048xf32, #tpu.memory_space<vmem>>
        %get3A_452 = tpu.memref_squeeze %get3A_451 : memref<1x8x2048xf32, #tpu.memory_space<vmem>> -> memref<8x2048xf32, #tpu.memory_space<vmem>>
        %get3A_453 = arith.index_cast %get3A_448 : i32 to index
        %get3A_454 = arith.index_cast %multiple_of3A_423 : i32 to index
        %get3A_455 = tpu.vector_load %get3A_452[%get3A_453, %get3A_454] {strides = array<i32>} : memref<8x2048xf32, #tpu.memory_space<vmem>>, vector<16xf32>,
        %get3A_456 = arith.constant 4 : i32
        %get3A_457 = arith.constant 0 : i32
        %get3A_458 = arith.constant 0 : i32
        %get3A_459 = tpu.memref_slice %arg7[%scan3A_312, %get3A_457, %get3A_458] : memref<4x8x2048xf32, #tpu.memory_space<vmem>> -> memref<1x8x2048xf32, #tpu.memory_space<vmem>>
        %get3A_460 = tpu.memref_squeeze %get3A_459 : memref<1x8x2048xf32, #tpu.memory_space<vmem>> -> memref<8x2048xf32, #tpu.memory_space<vmem>>
        %get3A_461 = arith.index_cast %get3A_456 : i32 to index
        %get3A_462 = arith.index_cast %multiple_of3A_423 : i32 to index
        %get3A_463 = tpu.vector_load %get3A_460[%get3A_461, %get3A_462] {strides = array<i32>} : memref<8x2048xf32, #tpu.memory_space<vmem>>, vector<16xf32>,
        %get3A_464 = arith.constant 5 : i32
        %get3A_465 = arith.constant 0 : i32
        %get3A_466 = arith.constant 0 : i32
        %get3A_467 = tpu.memref_slice %arg7[%scan3A_312, %get3A_465, %get3A_466] : memref<4x8x2048xf32, #tpu.memory_space<vmem>> -> memref<1x8x2048xf32, #tpu.memory_space<vmem>>
        %get3A_468 = tpu.memref_squeeze %get3A_467 : memref<1x8x2048xf32, #tpu.memory_space<vmem>> -> memref<8x2048xf32, #tpu.memory_space<vmem>>
        %get3A_469 = arith.index_cast %get3A_464 : i32 to index
        %get3A_470 = arith.index_cast %multiple_of3A_423 : i32 to index
        %get3A_471 = tpu.vector_load %get3A_468[%get3A_469, %get3A_470] {strides = array<i32>} : memref<8x2048xf32, #tpu.memory_space<vmem>>, vector<16xf32>,
        %get3A_472 = arith.constant 6 : i32
        %get3A_473 = arith.constant 0 : i32
        %get3A_474 = arith.constant 0 : i32
        %get3A_475 = tpu.memref_slice %arg7[%scan3A_312, %get3A_473, %get3A_474] : memref<4x8x2048xf32, #tpu.memory_space<vmem>> -> memref<1x8x2048xf32, #tpu.memory_space<vmem>>
        %get3A_476 = tpu.memref_squeeze %get3A_475 : memref<1x8x2048xf32, #tpu.memory_space<vmem>> -> memref<8x2048xf32, #tpu.memory_space<vmem>>
        %get3A_477 = arith.index_cast %get3A_472 : i32 to index
        %get3A_478 = arith.index_cast %multiple_of3A_423 : i32 to index
        %get3A_479 = tpu.vector_load %get3A_476[%get3A_477, %get3A_478] {strides = array<i32>} : memref<8x2048xf32, #tpu.memory_space<vmem>>, vector<16xf32>,
        %get3A_480 = arith.constant 7 : i32
        %get3A_481 = arith.constant 0 : i32
        %get3A_482 = arith.constant 0 : i32
        %get3A_483 = tpu.memref_slice %arg7[%scan3A_312, %get3A_481, %get3A_482] : memref<4x8x2048xf32, #tpu.memory_space<vmem>> -> memref<1x8x2048xf32, #tpu.memory_space<vmem>>
        %get3A_484 = tpu.memref_squeeze %get3A_483 : memref<1x8x2048xf32, #tpu.memory_space<vmem>> -> memref<8x2048xf32, #tpu.memory_space<vmem>>
        %get3A_485 = arith.index_cast %get3A_480 : i32 to index
        %get3A_486 = arith.index_cast %multiple_of3A_423 : i32 to index
        %get3A_487 = tpu.vector_load %get3A_484[%get3A_485, %get3A_486] {strides = array<i32>} : memref<8x2048xf32, #tpu.memory_space<vmem>>, vector<16xf32>,
        %scatter3A = arith.constant 0 : i32
        %scatter3A_488 = arith.constant 0 : i32
        %scatter3A_489 = tpu.memref_slice %arg8[%select_n3A_278, %scatter3A, %scatter3A_488] : memref<2x8x2048xf32, #tpu.memory_space<vmem>> -> memref<1x8x2048xf32, #tpu.memory_space<vmem>>
        %scatter3A_490 = tpu.memref_squeeze %scatter3A_489 : memref<1x8x2048xf32, #tpu.memory_space<vmem>> -> memref<8x2048xf32, #tpu.memory_space<vmem>>
        tpu.vector_store_idx %scatter3A_490[%broadcast_in_dim3A_3, %scan3A_414], %get3A_431 : memref<8x2048xf32, #tpu.memory_space<vmem>>[vector<16xi32>, vector<16xi32>], vector<16xf32>,
        %scatter3A_491 = arith.constant 0 : i32
        %scatter3A_492 = arith.constant 0 : i32
        %scatter3A_493 = tpu.memref_slice %arg8[%select_n3A_278, %scatter3A_491, %scatter3A_492] : memref<2x8x2048xf32, #tpu.memory_space<vmem>> -> memref<1x8x2048xf32, #tpu.memory_space<vmem>>
        %scatter3A_494 = tpu.memref_squeeze %scatter3A_493 : memref<1x8x2048xf32, #tpu.memory_space<vmem>> -> memref<8x2048xf32, #tpu.memory_space<vmem>>
        tpu.vector_store_idx %scatter3A_494[%broadcast_in_dim3A_5, %scan3A_414], %get3A_439 : memref<8x2048xf32, #tpu.memory_space<vmem>>[vector<16xi32>, vector<16xi32>], vector<16xf32>,
        %scatter3A_495 = arith.constant 0 : i32
        %scatter3A_496 = arith.constant 0 : i32
        %scatter3A_497 = tpu.memref_slice %arg8[%select_n3A_278, %scatter3A_495, %scatter3A_496] : memref<2x8x2048xf32, #tpu.memory_space<vmem>> -> memref<1x8x2048xf32, #tpu.memory_space<vmem>>
        %scatter3A_498 = tpu.memref_squeeze %scatter3A_497 : memref<1x8x2048xf32, #tpu.memory_space<vmem>> -> memref<8x2048xf32, #tpu.memory_space<vmem>>
        tpu.vector_store_idx %scatter3A_498[%broadcast_in_dim3A_7, %scan3A_414], %get3A_447 : memref<8x2048xf32, #tpu.memory_space<vmem>>[vector<16xi32>, vector<16xi32>], vector<16xf32>,
        %scatter3A_499 = arith.constant 0 : i32
        %scatter3A_500 = arith.constant 0 : i32
        %scatter3A_501 = tpu.memref_slice %arg8[%select_n3A_278, %scatter3A_499, %scatter3A_500] : memref<2x8x2048xf32, #tpu.memory_space<vmem>> -> memref<1x8x2048xf32, #tpu.memory_space<vmem>>
        %scatter3A_502 = tpu.memref_squeeze %scatter3A_501 : memref<1x8x2048xf32, #tpu.memory_space<vmem>> -> memref<8x2048xf32, #tpu.memory_space<vmem>>
        tpu.vector_store_idx %scatter3A_502[%broadcast_in_dim3A_9, %scan3A_414], %get3A_455 : memref<8x2048xf32, #tpu.memory_space<vmem>>[vector<16xi32>, vector<16xi32>], vector<16xf32>,
        %scatter3A_503 = arith.constant 0 : i32
        %scatter3A_504 = arith.constant 0 : i32
        %scatter3A_505 = tpu.memref_slice %arg8[%select_n3A_278, %scatter3A_503, %scatter3A_504] : memref<2x8x2048xf32, #tpu.memory_space<vmem>> -> memref<1x8x2048xf32, #tpu.memory_space<vmem>>
        %scatter3A_506 = tpu.memref_squeeze %scatter3A_505 : memref<1x8x2048xf32, #tpu.memory_space<vmem>> -> memref<8x2048xf32, #tpu.memory_space<vmem>>
        tpu.vector_store_idx %scatter3A_506[%broadcast_in_dim3A_11, %scan3A_414], %get3A_463 : memref<8x2048xf32, #tpu.memory_space<vmem>>[vector<16xi32>, vector<16xi32>], vector<16xf32>,
        %scatter3A_507 = arith.constant 0 : i32
        %scatter3A_508 = arith.constant 0 : i32
        %scatter3A_509 = tpu.memref_slice %arg8[%select_n3A_278, %scatter3A_507, %scatter3A_508] : memref<2x8x2048xf32, #tpu.memory_space<vmem>> -> memref<1x8x2048xf32, #tpu.memory_space<vmem>>
        %scatter3A_510 = tpu.memref_squeeze %scatter3A_509 : memref<1x8x2048xf32, #tpu.memory_space<vmem>> -> memref<8x2048xf32, #tpu.memory_space<vmem>>
        tpu.vector_store_idx %scatter3A_510[%broadcast_in_dim3A_13, %scan3A_414], %get3A_471 : memref<8x2048xf32, #tpu.memory_space<vmem>>[vector<16xi32>, vector<16xi32>], vector<16xf32>,
        %scatter3A_511 = arith.constant 0 : i32
        %scatter3A_512 = arith.constant 0 : i32
        %scatter3A_513 = tpu.memref_slice %arg8[%select_n3A_278, %scatter3A_511, %scatter3A_512] : memref<2x8x2048xf32, #tpu.memory_space<vmem>> -> memref<1x8x2048xf32, #tpu.memory_space<vmem>>
        %scatter3A_514 = tpu.memref_squeeze %scatter3A_513 : memref<1x8x2048xf32, #tpu.memory_space<vmem>> -> memref<8x2048xf32, #tpu.memory_space<vmem>>
        tpu.vector_store_idx %scatter3A_514[%broadcast_in_dim3A_15, %scan3A_414], %get3A_479 : memref<8x2048xf32, #tpu.memory_space<vmem>>[vector<16xi32>, vector<16xi32>], vector<16xf32>,
        %scatter3A_515 = arith.constant 0 : i32
        %scatter3A_516 = arith.constant 0 : i32
        %scatter3A_517 = tpu.memref_slice %arg8[%select_n3A_278, %scatter3A_515, %scatter3A_516] : memref<2x8x2048xf32, #tpu.memory_space<vmem>> -> memref<1x8x2048xf32, #tpu.memory_space<vmem>>
        %scatter3A_518 = tpu.memref_squeeze %scatter3A_517 : memref<1x8x2048xf32, #tpu.memory_space<vmem>> -> memref<8x2048xf32, #tpu.memory_space<vmem>>
        tpu.vector_store_idx %scatter3A_518[%broadcast_in_dim3A_17, %scan3A_414], %get3A_487 : memref<8x2048xf32, #tpu.memory_space<vmem>>[vector<16xi32>, vector<16xi32>], vector<16xf32>,
        %scan3A_519 = arith.constant 1 : i32
        %scan3A_520 = arith.addi %scan3A_413, %scan3A_519 : i32
        %mul3A_521 = arith.constant 16 : i32
        %mul3A_522 = arith.muli %scan3A_520, %mul3A_521 : i32
        %add3A_523 = arith.constant 16 : i32
        %add3A_524 = arith.addi %mul3A_522, %add3A_523 : i32
        %multiple_of3A_525 = tpu.assume_multiple %add3A_524, 16 : i32
        %get3A_526 = arith.index_cast %multiple_of3A_525 : i32 to index
        %get3A_527 = tpu.vector_load %arg5[%get3A_526] {strides = array<i32>} : memref<2064xi32, #tpu.memory_space<vmem>>, vector<16xi32>,
        %mul3A_528 = arith.constant 16 : i32
        %mul3A_529 = arith.muli %scan3A_520, %mul3A_528 : i32
        %multiple_of3A_530 = tpu.assume_multiple %mul3A_529, 16 : i32
        %get3A_531 = arith.constant 0 : i32
        %get3A_532 = arith.constant 0 : i32
        %get3A_533 = arith.constant 0 : i32
        %get3A_534 = tpu.memref_slice %arg7[%scan3A_312, %get3A_532, %get3A_533] : memref<4x8x2048xf32, #tpu.memory_space<vmem>> -> memref<1x8x2048xf32, #tpu.memory_space<vmem>>
        %get3A_535 = tpu.memref_squeeze %get3A_534 : memref<1x8x2048xf32, #tpu.memory_space<vmem>> -> memref<8x2048xf32, #tpu.memory_space<vmem>>
        %get3A_536 = arith.index_cast %get3A_531 : i32 to index
        %get3A_537 = arith.index_cast %multiple_of3A_530 : i32 to index
        %get3A_538 = tpu.vector_load %get3A_535[%get3A_536, %get3A_537] {strides = array<i32>} : memref<8x2048xf32, #tpu.memory_space<vmem>>, vector<16xf32>,
        %get3A_539 = arith.constant 1 : i32
        %get3A_540 = arith.constant 0 : i32
        %get3A_541 = arith.constant 0 : i32
        %get3A_542 = tpu.memref_slice %arg7[%scan3A_312, %get3A_540, %get3A_541] : memref<4x8x2048xf32, #tpu.memory_space<vmem>> -> memref<1x8x2048xf32, #tpu.memory_space<vmem>>
        %get3A_543 = tpu.memref_squeeze %get3A_542 : memref<1x8x2048xf32, #tpu.memory_space<vmem>> -> memref<8x2048xf32, #tpu.memory_space<vmem>>
        %get3A_544 = arith.index_cast %get3A_539 : i32 to index
        %get3A_545 = arith.index_cast %multiple_of3A_530 : i32 to index
        %get3A_546 = tpu.vector_load %get3A_543[%get3A_544, %get3A_545] {strides = array<i32>} : memref<8x2048xf32, #tpu.memory_space<vmem>>, vector<16xf32>,
        %get3A_547 = arith.constant 2 : i32
        %get3A_548 = arith.constant 0 : i32
        %get3A_549 = arith.constant 0 : i32
        %get3A_550 = tpu.memref_slice %arg7[%scan3A_312, %get3A_548, %get3A_549] : memref<4x8x2048xf32, #tpu.memory_space<vmem>> -> memref<1x8x2048xf32, #tpu.memory_space<vmem>>
        %get3A_551 = tpu.memref_squeeze %get3A_550 : memref<1x8x2048xf32, #tpu.memory_space<vmem>> -> memref<8x2048xf32, #tpu.memory_space<vmem>>
        %get3A_552 = arith.index_cast %get3A_547 : i32 to index
        %get3A_553 = arith.index_cast %multiple_of3A_530 : i32 to index
        %get3A_554 = tpu.vector_load %get3A_551[%get3A_552, %get3A_553] {strides = array<i32>} : memref<8x2048xf32, #tpu.memory_space<vmem>>, vector<16xf32>,
        %get3A_555 = arith.constant 3 : i32
        %get3A_556 = arith.constant 0 : i32
        %get3A_557 = arith.constant 0 : i32
        %get3A_558 = tpu.memref_slice %arg7[%scan3A_312, %get3A_556, %get3A_557] : memref<4x8x2048xf32, #tpu.memory_space<vmem>> -> memref<1x8x2048xf32, #tpu.memory_space<vmem>>
        %get3A_559 = tpu.memref_squeeze %get3A_558 : memref<1x8x2048xf32, #tpu.memory_space<vmem>> -> memref<8x2048xf32, #tpu.memory_space<vmem>>
        %get3A_560 = arith.index_cast %get3A_555 : i32 to index
        %get3A_561 = arith.index_cast %multiple_of3A_530 : i32 to index
        %get3A_562 = tpu.vector_load %get3A_559[%get3A_560, %get3A_561] {strides = array<i32>} : memref<8x2048xf32, #tpu.memory_space<vmem>>, vector<16xf32>,
        %get3A_563 = arith.constant 4 : i32
        %get3A_564 = arith.constant 0 : i32
        %get3A_565 = arith.constant 0 : i32
        %get3A_566 = tpu.memref_slice %arg7[%scan3A_312, %get3A_564, %get3A_565] : memref<4x8x2048xf32, #tpu.memory_space<vmem>> -> memref<1x8x2048xf32, #tpu.memory_space<vmem>>
        %get3A_567 = tpu.memref_squeeze %get3A_566 : memref<1x8x2048xf32, #tpu.memory_space<vmem>> -> memref<8x2048xf32, #tpu.memory_space<vmem>>
        %get3A_568 = arith.index_cast %get3A_563 : i32 to index
        %get3A_569 = arith.index_cast %multiple_of3A_530 : i32 to index
        %get3A_570 = tpu.vector_load %get3A_567[%get3A_568, %get3A_569] {strides = array<i32>} : memref<8x2048xf32, #tpu.memory_space<vmem>>, vector<16xf32>,
        %get3A_571 = arith.constant 5 : i32
        %get3A_572 = arith.constant 0 : i32
        %get3A_573 = arith.constant 0 : i32
        %get3A_574 = tpu.memref_slice %arg7[%scan3A_312, %get3A_572, %get3A_573] : memref<4x8x2048xf32, #tpu.memory_space<vmem>> -> memref<1x8x2048xf32, #tpu.memory_space<vmem>>
        %get3A_575 = tpu.memref_squeeze %get3A_574 : memref<1x8x2048xf32, #tpu.memory_space<vmem>> -> memref<8x2048xf32, #tpu.memory_space<vmem>>
        %get3A_576 = arith.index_cast %get3A_571 : i32 to index
        %get3A_577 = arith.index_cast %multiple_of3A_530 : i32 to index
        %get3A_578 = tpu.vector_load %get3A_575[%get3A_576, %get3A_577] {strides = array<i32>} : memref<8x2048xf32, #tpu.memory_space<vmem>>, vector<16xf32>,
        %get3A_579 = arith.constant 6 : i32
        %get3A_580 = arith.constant 0 : i32
        %get3A_581 = arith.constant 0 : i32
        %get3A_582 = tpu.memref_slice %arg7[%scan3A_312, %get3A_580, %get3A_581] : memref<4x8x2048xf32, #tpu.memory_space<vmem>> -> memref<1x8x2048xf32, #tpu.memory_space<vmem>>
        %get3A_583 = tpu.memref_squeeze %get3A_582 : memref<1x8x2048xf32, #tpu.memory_space<vmem>> -> memref<8x2048xf32, #tpu.memory_space<vmem>>
        %get3A_584 = arith.index_cast %get3A_579 : i32 to index
        %get3A_585 = arith.index_cast %multiple_of3A_530 : i32 to index
        %get3A_586 = tpu.vector_load %get3A_583[%get3A_584, %get3A_585] {strides = array<i32>} : memref<8x2048xf32, #tpu.memory_space<vmem>>, vector<16xf32>,
        %get3A_587 = arith.constant 7 : i32
        %get3A_588 = arith.constant 0 : i32
        %get3A_589 = arith.constant 0 : i32
        %get3A_590 = tpu.memref_slice %arg7[%scan3A_312, %get3A_588, %get3A_589] : memref<4x8x2048xf32, #tpu.memory_space<vmem>> -> memref<1x8x2048xf32, #tpu.memory_space<vmem>>
        %get3A_591 = tpu.memref_squeeze %get3A_590 : memref<1x8x2048xf32, #tpu.memory_space<vmem>> -> memref<8x2048xf32, #tpu.memory_space<vmem>>
        %get3A_592 = arith.index_cast %get3A_587 : i32 to index
        %get3A_593 = arith.index_cast %multiple_of3A_530 : i32 to index
        %get3A_594 = tpu.vector_load %get3A_591[%get3A_592, %get3A_593] {strides = array<i32>} : memref<8x2048xf32, #tpu.memory_space<vmem>>, vector<16xf32>,
        %scatter3A_595 = arith.constant 0 : i32
        %scatter3A_596 = arith.constant 0 : i32
        %scatter3A_597 = tpu.memref_slice %arg8[%select_n3A_278, %scatter3A_595, %scatter3A_596] : memref<2x8x2048xf32, #tpu.memory_space<vmem>> -> memref<1x8x2048xf32, #tpu.memory_space<vmem>>
        %scatter3A_598 = tpu.memref_squeeze %scatter3A_597 : memref<1x8x2048xf32, #tpu.memory_space<vmem>> -> memref<8x2048xf32, #tpu.memory_space<vmem>>
        tpu.vector_store_idx %scatter3A_598[%broadcast_in_dim3A_3, %get3A_420], %get3A_538 : memref<8x2048xf32, #tpu.memory_space<vmem>>[vector<16xi32>, vector<16xi32>], vector<16xf32>,
        %scatter3A_599 = arith.constant 0 : i32
        %scatter3A_600 = arith.constant 0 : i32
        %scatter3A_601 = tpu.memref_slice %arg8[%select_n3A_278, %scatter3A_599, %scatter3A_600] : memref<2x8x2048xf32, #tpu.memory_space<vmem>> -> memref<1x8x2048xf32, #tpu.memory_space<vmem>>
        %scatter3A_602 = tpu.memref_squeeze %scatter3A_601 : memref<1x8x2048xf32, #tpu.memory_space<vmem>> -> memref<8x2048xf32, #tpu.memory_space<vmem>>
        tpu.vector_store_idx %scatter3A_602[%broadcast_in_dim3A_5, %get3A_420], %get3A_546 : memref<8x2048xf32, #tpu.memory_space<vmem>>[vector<16xi32>, vector<16xi32>], vector<16xf32>,
        %scatter3A_603 = arith.constant 0 : i32
        %scatter3A_604 = arith.constant 0 : i32
        %scatter3A_605 = tpu.memref_slice %arg8[%select_n3A_278, %scatter3A_603, %scatter3A_604] : memref<2x8x2048xf32, #tpu.memory_space<vmem>> -> memref<1x8x2048xf32, #tpu.memory_space<vmem>>
        %scatter3A_606 = tpu.memref_squeeze %scatter3A_605 : memref<1x8x2048xf32, #tpu.memory_space<vmem>> -> memref<8x2048xf32, #tpu.memory_space<vmem>>
        tpu.vector_store_idx %scatter3A_606[%broadcast_in_dim3A_7, %get3A_420], %get3A_554 : memref<8x2048xf32, #tpu.memory_space<vmem>>[vector<16xi32>, vector<16xi32>], vector<16xf32>,
        %scatter3A_607 = arith.constant 0 : i32
        %scatter3A_608 = arith.constant 0 : i32
        %scatter3A_609 = tpu.memref_slice %arg8[%select_n3A_278, %scatter3A_607, %scatter3A_608] : memref<2x8x2048xf32, #tpu.memory_space<vmem>> -> memref<1x8x2048xf32, #tpu.memory_space<vmem>>
        %scatter3A_610 = tpu.memref_squeeze %scatter3A_609 : memref<1x8x2048xf32, #tpu.memory_space<vmem>> -> memref<8x2048xf32, #tpu.memory_space<vmem>>
        tpu.vector_store_idx %scatter3A_610[%broadcast_in_dim3A_9, %get3A_420], %get3A_562 : memref<8x2048xf32, #tpu.memory_space<vmem>>[vector<16xi32>, vector<16xi32>], vector<16xf32>,
        %scatter3A_611 = arith.constant 0 : i32
        %scatter3A_612 = arith.constant 0 : i32
        %scatter3A_613 = tpu.memref_slice %arg8[%select_n3A_278, %scatter3A_611, %scatter3A_612] : memref<2x8x2048xf32, #tpu.memory_space<vmem>> -> memref<1x8x2048xf32, #tpu.memory_space<vmem>>
        %scatter3A_614 = tpu.memref_squeeze %scatter3A_613 : memref<1x8x2048xf32, #tpu.memory_space<vmem>> -> memref<8x2048xf32, #tpu.memory_space<vmem>>
        tpu.vector_store_idx %scatter3A_614[%broadcast_in_dim3A_11, %get3A_420], %get3A_570 : memref<8x2048xf32, #tpu.memory_space<vmem>>[vector<16xi32>, vector<16xi32>], vector<16xf32>,
        %scatter3A_615 = arith.constant 0 : i32
        %scatter3A_616 = arith.constant 0 : i32
        %scatter3A_617 = tpu.memref_slice %arg8[%select_n3A_278, %scatter3A_615, %scatter3A_616] : memref<2x8x2048xf32, #tpu.memory_space<vmem>> -> memref<1x8x2048xf32, #tpu.memory_space<vmem>>
        %scatter3A_618 = tpu.memref_squeeze %scatter3A_617 : memref<1x8x2048xf32, #tpu.memory_space<vmem>> -> memref<8x2048xf32, #tpu.memory_space<vmem>>
        tpu.vector_store_idx %scatter3A_618[%broadcast_in_dim3A_13, %get3A_420], %get3A_578 : memref<8x2048xf32, #tpu.memory_space<vmem>>[vector<16xi32>, vector<16xi32>], vector<16xf32>,
        %scatter3A_619 = arith.constant 0 : i32
        %scatter3A_620 = arith.constant 0 : i32
        %scatter3A_621 = tpu.memref_slice %arg8[%select_n3A_278, %scatter3A_619, %scatter3A_620] : memref<2x8x2048xf32, #tpu.memory_space<vmem>> -> memref<1x8x2048xf32, #tpu.memory_space<vmem>>
        %scatter3A_622 = tpu.memref_squeeze %scatter3A_621 : memref<1x8x2048xf32, #tpu.memory_space<vmem>> -> memref<8x2048xf32, #tpu.memory_space<vmem>>
        tpu.vector_store_idx %scatter3A_622[%broadcast_in_dim3A_15, %get3A_420], %get3A_586 : memref<8x2048xf32, #tpu.memory_space<vmem>>[vector<16xi32>, vector<16xi32>], vector<16xf32>,
        %scatter3A_623 = arith.constant 0 : i32
        %scatter3A_624 = arith.constant 0 : i32
        %scatter3A_625 = tpu.memref_slice %arg8[%select_n3A_278, %scatter3A_623, %scatter3A_624] : memref<2x8x2048xf32, #tpu.memory_space<vmem>> -> memref<1x8x2048xf32, #tpu.memory_space<vmem>>
        %scatter3A_626 = tpu.memref_squeeze %scatter3A_625 : memref<1x8x2048xf32, #tpu.memory_space<vmem>> -> memref<8x2048xf32, #tpu.memory_space<vmem>>
        tpu.vector_store_idx %scatter3A_626[%broadcast_in_dim3A_17, %get3A_420], %get3A_594 : memref<8x2048xf32, #tpu.memory_space<vmem>>[vector<16xi32>, vector<16xi32>], vector<16xf32>,
        scf.yield %get3A_527 : vector<16xi32>
      }
      %scan3A_318 = arith.constant 128 : i32
      %mul3A_319 = arith.constant 8 : i32
      %mul3A_320 = arith.muli %add3A_262, %mul3A_319 : i32
      %add3A_321 = arith.addi %mul3A_2, %mul3A_320 : i32
      %dma_start3A_322 = arith.constant 0 : i32
      %dma_start3A_323 = arith.constant 0 : i32
      %dma_start3A_324 = tpu.memref_slice %arg8[%select_n3A_278, %dma_start3A_322, %dma_start3A_323] : memref<2x8x2048xf32, #tpu.memory_space<vmem>> -> memref<1x8x2048xf32, #tpu.memory_space<vmem>>
      %dma_start3A_325 = tpu.memref_squeeze %dma_start3A_324 : memref<1x8x2048xf32, #tpu.memory_space<vmem>> -> memref<8x2048xf32, #tpu.memory_space<vmem>>
      %dma_start3A_326 = arith.constant 0 : i32
      %dma_start3A_327 = tpu.memref_slice %arg4[%add3A_321, %dma_start3A_326] : memref<16384x2048xf32, #tpu.memory_space<hbm>> -> memref<8x2048xf32, #tpu.memory_space<hbm>>
      %dma_start3A_328 = tpu.memref_slice %arg10[%select_n3A_278] : memref<2x!tpu.dma_semaphore, #tpu.memory_space<semaphore_mem>> -> memref<1x!tpu.dma_semaphore, #tpu.memory_space<semaphore_mem>>
      %dma_start3A_329 = tpu.memref_squeeze %dma_start3A_328 : memref<1x!tpu.dma_semaphore, #tpu.memory_space<semaphore_mem>> -> memref<!tpu.dma_semaphore, #tpu.memory_space<semaphore_mem>>
      %dma_start3A_330 = arith.constant 0 : i32
      %dma_start3A_331 = tpu.memref_slice %arg4[%add3A_321, %dma_start3A_330] : memref<16384x2048xf32, #tpu.memory_space<hbm>> -> memref<8x2048xf32, #tpu.memory_space<hbm>>
      %dma_start3A_332 = arith.constant 0 : i32
      %dma_start3A_333 = arith.constant 0 : i32
      %dma_start3A_334 = tpu.memref_slice %arg8[%select_n3A_278, %dma_start3A_332, %dma_start3A_333] : memref<2x8x2048xf32, #tpu.memory_space<vmem>> -> memref<1x8x2048xf32, #tpu.memory_space<vmem>>
      %dma_start3A_335 = tpu.memref_squeeze %dma_start3A_334 : memref<1x8x2048xf32, #tpu.memory_space<vmem>> -> memref<8x2048xf32, #tpu.memory_space<vmem>>
      tpu.enqueue_dma source(%dma_start3A_335 : memref<8x2048xf32, #tpu.memory_space<vmem>>) target(%dma_start3A_331 : memref<8x2048xf32, #tpu.memory_space<hbm>>) target_semaphore(%dma_start3A_329 : memref<!tpu.dma_semaphore, #tpu.memory_space<semaphore_mem>>)
      %mul3A_336 = arith.constant 4 : i32
      %mul3A_337 = arith.muli %mul3A_336, %scan3A_115 : i32
      %add3A_338 = arith.constant 3 : i32
      %add3A_339 = arith.addi %mul3A_337, %add3A_338 : i32
      %jit3A_340 = arith.constant 2 : i32
      %eq3A_341 = arith.constant 0 : i32
      %eq3A_342 = arith.cmpi eq, %jit3A_340, %eq3A_341 : i32
      %jit3A_343 = arith.constant 1 : i32
      %select_n3A_344 = arith.select %eq3A_342, %jit3A_343, %jit3A_340 : i32
      %rem3A_345 = arith.remsi %add3A_339, %select_n3A_344 : i32
      %ne3A_346 = arith.constant 0 : i32
      %ne3A_347 = arith.cmpi ne, %rem3A_345, %ne3A_346 : i32
      %lt3A_348 = arith.constant 0 : i32
      %lt3A_349 = arith.cmpi slt, %rem3A_345, %lt3A_348 : i32
      %lt3A_350 = arith.constant 0 : i32
      %lt3A_351 = arith.cmpi slt, %select_n3A_344, %lt3A_350 : i32
      %ne3A_352 = arith.xori %lt3A_349, %lt3A_351 : i1
      %and3A_353 = arith.andi %ne3A_352, %ne3A_347 : i1
      %add3A_354 = arith.addi %rem3A_345, %select_n3A_344 : i32
      %select_n3A_355 = arith.select %and3A_353, %add3A_354, %rem3A_345 : i32
      %mul3A_356 = arith.constant 8 : i32
      %mul3A_357 = arith.muli %add3A_339, %mul3A_356 : i32
      %add3A_358 = arith.addi %mul3A_2, %mul3A_357 : i32
      %dma_wait3A_359 = arith.constant 3 : i32
      %dma_wait3A_360 = arith.constant 3 : i32
      %dma_wait3A_361 = arith.constant 0 : i32
      %dma_wait3A_362 = arith.constant 0 : i32
      %dma_wait3A_363 = tpu.memref_slice %arg7[%dma_wait3A_359, %dma_wait3A_361, %dma_wait3A_362] : memref<4x8x2048xf32, #tpu.memory_space<vmem>> -> memref<1x8x2048xf32, #tpu.memory_space<vmem>>
      %dma_wait3A_364 = tpu.memref_squeeze %dma_wait3A_363 : memref<1x8x2048xf32, #tpu.memory_space<vmem>> -> memref<8x2048xf32, #tpu.memory_space<vmem>>
      %dma_wait3A_365 = arith.constant 0 : i32
      %dma_wait3A_366 = tpu.memref_slice %arg2[%add3A_358, %dma_wait3A_365] : memref<16384x2048xf32, #tpu.memory_space<hbm>> -> memref<8x2048xf32, #tpu.memory_space<hbm>>
      %dma_wait3A_367 = tpu.memref_slice %arg9[%dma_wait3A_360] : memref<4x!tpu.dma_semaphore, #tpu.memory_space<semaphore_mem>> -> memref<1x!tpu.dma_semaphore, #tpu.memory_space<semaphore_mem>>
      %dma_wait3A_368 = tpu.memref_squeeze %dma_wait3A_367 : memref<1x!tpu.dma_semaphore, #tpu.memory_space<semaphore_mem>> -> memref<!tpu.dma_semaphore, #tpu.memory_space<semaphore_mem>>
      %dma_wait3A_369 = arith.constant 0 : i32
      %dma_wait3A_370 = arith.constant 0 : i32
      %dma_wait3A_371 = tpu.memref_slice %arg7[%dma_wait3A_359, %dma_wait3A_369, %dma_wait3A_370] : memref<4x8x2048xf32, #tpu.memory_space<vmem>> -> memref<1x8x2048xf32, #tpu.memory_space<vmem>>
      %dma_wait3A_372 = tpu.memref_squeeze %dma_wait3A_371 : memref<1x8x2048xf32, #tpu.memory_space<vmem>> -> memref<8x2048xf32, #tpu.memory_space<vmem>>
      %dma_wait3A_373 = arith.constant 0 : i32
      %dma_wait3A_374 = tpu.memref_slice %arg2[%add3A_358, %dma_wait3A_373] : memref<16384x2048xf32, #tpu.memory_space<hbm>> -> memref<8x2048xf32, #tpu.memory_space<hbm>>
      tpu.wait_dma2 semaphore(%dma_wait3A_368 : memref<!tpu.dma_semaphore, #tpu.memory_space<semaphore_mem>>) src(%dma_wait3A_374 : memref<8x2048xf32, #tpu.memory_space<hbm>>) dst(%dma_wait3A_372 : memref<8x2048xf32, #tpu.memory_space<vmem>>)
      %add3A_375 = arith.constant 3 : i32
      %add3A_376 = arith.addi %add3A_339, %add3A_375 : i32
      %lt3A_377 = arith.constant 64 : i32
      %lt3A_378 = arith.cmpi slt, %add3A_376, %lt3A_377 : i32
      %convert_element_type3A_379 = arith.extui %lt3A_378 : i1 to i32
      %cond3A_380 = arith.constant 0 : i32
      %cond3A_381 = arith.cmpi ne, %convert_element_type3A_379, %cond3A_380 : i32
      scf.if %cond3A_381 {
        %add3A_413 = arith.constant 3 : i32
        %add3A_414 = arith.addi %add3A_339, %add3A_413 : i32
        %mul3A_415 = arith.constant 8 : i32
        %mul3A_416 = arith.muli %add3A_414, %mul3A_415 : i32
        %add3A_417 = arith.addi %mul3A_2, %mul3A_416 : i32
        %dma_start3A_418 = arith.constant 2 : i32
        %dma_start3A_419 = arith.constant 2 : i32
        %dma_start3A_420 = arith.constant 0 : i32
        %dma_start3A_421 = arith.constant 0 : i32
        %dma_start3A_422 = tpu.memref_slice %arg7[%dma_start3A_418, %dma_start3A_420, %dma_start3A_421] : memref<4x8x2048xf32, #tpu.memory_space<vmem>> -> memref<1x8x2048xf32, #tpu.memory_space<vmem>>
        %dma_start3A_423 = tpu.memref_squeeze %dma_start3A_422 : memref<1x8x2048xf32, #tpu.memory_space<vmem>> -> memref<8x2048xf32, #tpu.memory_space<vmem>>
        %dma_start3A_424 = arith.constant 0 : i32
        %dma_start3A_425 = tpu.memref_slice %arg2[%add3A_417, %dma_start3A_424] : memref<16384x2048xf32, #tpu.memory_space<hbm>> -> memref<8x2048xf32, #tpu.memory_space<hbm>>
        %dma_start3A_426 = tpu.memref_slice %arg9[%dma_start3A_419] : memref<4x!tpu.dma_semaphore, #tpu.memory_space<semaphore_mem>> -> memref<1x!tpu.dma_semaphore, #tpu.memory_space<semaphore_mem>>
        %dma_start3A_427 = tpu.memref_squeeze %dma_start3A_426 : memref<1x!tpu.dma_semaphore, #tpu.memory_space<semaphore_mem>> -> memref<!tpu.dma_semaphore, #tpu.memory_space<semaphore_mem>>
        %dma_start3A_428 = arith.constant 0 : i32
        %dma_start3A_429 = arith.constant 0 : i32
        %dma_start3A_430 = tpu.memref_slice %arg7[%dma_start3A_418, %dma_start3A_428, %dma_start3A_429] : memref<4x8x2048xf32, #tpu.memory_space<vmem>> -> memref<1x8x2048xf32, #tpu.memory_space<vmem>>
        %dma_start3A_431 = tpu.memref_squeeze %dma_start3A_430 : memref<1x8x2048xf32, #tpu.memory_space<vmem>> -> memref<8x2048xf32, #tpu.memory_space<vmem>>
        %dma_start3A_432 = arith.constant 0 : i32
        %dma_start3A_433 = tpu.memref_slice %arg2[%add3A_417, %dma_start3A_432] : memref<16384x2048xf32, #tpu.memory_space<hbm>> -> memref<8x2048xf32, #tpu.memory_space<hbm>>
        tpu.enqueue_dma source(%dma_start3A_433 : memref<8x2048xf32, #tpu.memory_space<hbm>>) target(%dma_start3A_431 : memref<8x2048xf32, #tpu.memory_space<vmem>>) target_semaphore(%dma_start3A_427 : memref<!tpu.dma_semaphore, #tpu.memory_space<semaphore_mem>>)
      } else {
      }
      %ge3A_382 = arith.constant 2 : i32
      %ge3A_383 = arith.cmpi sge, %add3A_339, %ge3A_382 : i32
      %convert_element_type3A_384 = arith.extui %ge3A_383 : i1 to i32
      %cond3A_385 = arith.constant 0 : i32
      %cond3A_386 = arith.cmpi ne, %convert_element_type3A_384, %cond3A_385 : i32
      scf.if %cond3A_386 {
        %sub3A = arith.constant 2 : i32
        %sub3A_413 = arith.subi %add3A_339, %sub3A : i32
        %mul3A_414 = arith.constant 8 : i32
        %mul3A_415 = arith.muli %sub3A_413, %mul3A_414 : i32
        %add3A_416 = arith.addi %mul3A_2, %mul3A_415 : i32
        %dma_wait3A_417 = arith.constant 0 : i32
        %dma_wait3A_418 = arith.constant 0 : i32
        %dma_wait3A_419 = tpu.memref_slice %arg8[%select_n3A_355, %dma_wait3A_417, %dma_wait3A_418] : memref<2x8x2048xf32, #tpu.memory_space<vmem>> -> memref<1x8x2048xf32, #tpu.memory_space<vmem>>
        %dma_wait3A_420 = tpu.memref_squeeze %dma_wait3A_419 : memref<1x8x2048xf32, #tpu.memory_space<vmem>> -> memref<8x2048xf32, #tpu.memory_space<vmem>>
        %dma_wait3A_421 = arith.constant 0 : i32
        %dma_wait3A_422 = tpu.memref_slice %arg4[%add3A_416, %dma_wait3A_421] : memref<16384x2048xf32, #tpu.memory_space<hbm>> -> memref<8x2048xf32, #tpu.memory_space<hbm>>
        %dma_wait3A_423 = tpu.memref_slice %arg10[%select_n3A_355] : memref<2x!tpu.dma_semaphore, #tpu.memory_space<semaphore_mem>> -> memref<1x!tpu.dma_semaphore, #tpu.memory_space<semaphore_mem>>
        %dma_wait3A_424 = tpu.memref_squeeze %dma_wait3A_423 : memref<1x!tpu.dma_semaphore, #tpu.memory_space<semaphore_mem>> -> memref<!tpu.dma_semaphore, #tpu.memory_space<semaphore_mem>>
        %dma_wait3A_425 = arith.constant 0 : i32
        %dma_wait3A_426 = tpu.memref_slice %arg4[%add3A_416, %dma_wait3A_425] : memref<16384x2048xf32, #tpu.memory_space<hbm>> -> memref<8x2048xf32, #tpu.memory_space<hbm>>
        %dma_wait3A_427 = arith.constant 0 : i32
        %dma_wait3A_428 = arith.constant 0 : i32
        %dma_wait3A_429 = tpu.memref_slice %arg8[%select_n3A_355, %dma_wait3A_427, %dma_wait3A_428] : memref<2x8x2048xf32, #tpu.memory_space<vmem>> -> memref<1x8x2048xf32, #tpu.memory_space<vmem>>
        %dma_wait3A_430 = tpu.memref_squeeze %dma_wait3A_429 : memref<1x8x2048xf32, #tpu.memory_space<vmem>> -> memref<8x2048xf32, #tpu.memory_space<vmem>>
        tpu.wait_dma2 semaphore(%dma_wait3A_424 : memref<!tpu.dma_semaphore, #tpu.memory_space<semaphore_mem>>) src(%dma_wait3A_430 : memref<8x2048xf32, #tpu.memory_space<vmem>>) dst(%dma_wait3A_426 : memref<8x2048xf32, #tpu.memory_space<hbm>>)
      } else {
      }
      %get3A_387 = arith.constant 0 : index
      %get3A_388 = tpu.vector_load %arg5[%get3A_387] {strides = array<i32>} : memref<2064xi32, #tpu.memory_space<vmem>>, vector<16xi32>,
      %scan3A_389 = arith.constant 3 : i32
      %scan3A_390 = arith.constant 0 : i32
      %scan3A_391 = arith.constant 128 : i32
      %scan3A_392 = arith.addi %scan3A_390, %scan3A_391 : i32
      %scan3A_393 = arith.constant 2 : i32
      %scan3A_394 = scf.for %scan3A_413 = %scan3A_390 to %scan3A_392 step %scan3A_393 iter_args(%scan3A_414 = %get3A_388) -> (vector<16xi32>)  : i32 {
        %mul3A_415 = arith.constant 16 : i32
        %mul3A_416 = arith.muli %scan3A_413, %mul3A_415 : i32
        %add3A_417 = arith.constant 16 : i32
        %add3A_418 = arith.addi %mul3A_416, %add3A_417 : i32
        %multiple_of3A = tpu.assume_multiple %add3A_418, 16 : i32
        %get3A_419 = arith.index_cast %multiple_of3A : i32 to index
        %get3A_420 = tpu.vector_load %arg5[%get3A_419] {strides = array<i32>} : memref<2064xi32, #tpu.memory_space<vmem>>, vector<16xi32>,
        %mul3A_421 = arith.constant 16 : i32
        %mul3A_422 = arith.muli %scan3A_413, %mul3A_421 : i32
        %multiple_of3A_423 = tpu.assume_multiple %mul3A_422, 16 : i32
        %get3A_424 = arith.constant 0 : i32
        %get3A_425 = arith.constant 0 : i32
        %get3A_426 = arith.constant 0 : i32
        %get3A_427 = tpu.memref_slice %arg7[%scan3A_389, %get3A_425, %get3A_426] : memref<4x8x2048xf32, #tpu.memory_space<vmem>> -> memref<1x8x2048xf32, #tpu.memory_space<vmem>>
        %get3A_428 = tpu.memref_squeeze %get3A_427 : memref<1x8x2048xf32, #tpu.memory_space<vmem>> -> memref<8x2048xf32, #tpu.memory_space<vmem>>
        %get3A_429 = arith.index_cast %get3A_424 : i32 to index
        %get3A_430 = arith.index_cast %multiple_of3A_423 : i32 to index
        %get3A_431 = tpu.vector_load %get3A_428[%get3A_429, %get3A_430] {strides = array<i32>} : memref<8x2048xf32, #tpu.memory_space<vmem>>, vector<16xf32>,
        %get3A_432 = arith.constant 1 : i32
        %get3A_433 = arith.constant 0 : i32
        %get3A_434 = arith.constant 0 : i32
        %get3A_435 = tpu.memref_slice %arg7[%scan3A_389, %get3A_433, %get3A_434] : memref<4x8x2048xf32, #tpu.memory_space<vmem>> -> memref<1x8x2048xf32, #tpu.memory_space<vmem>>
        %get3A_436 = tpu.memref_squeeze %get3A_435 : memref<1x8x2048xf32, #tpu.memory_space<vmem>> -> memref<8x2048xf32, #tpu.memory_space<vmem>>
        %get3A_437 = arith.index_cast %get3A_432 : i32 to index
        %get3A_438 = arith.index_cast %multiple_of3A_423 : i32 to index
        %get3A_439 = tpu.vector_load %get3A_436[%get3A_437, %get3A_438] {strides = array<i32>} : memref<8x2048xf32, #tpu.memory_space<vmem>>, vector<16xf32>,
        %get3A_440 = arith.constant 2 : i32
        %get3A_441 = arith.constant 0 : i32
        %get3A_442 = arith.constant 0 : i32
        %get3A_443 = tpu.memref_slice %arg7[%scan3A_389, %get3A_441, %get3A_442] : memref<4x8x2048xf32, #tpu.memory_space<vmem>> -> memref<1x8x2048xf32, #tpu.memory_space<vmem>>
        %get3A_444 = tpu.memref_squeeze %get3A_443 : memref<1x8x2048xf32, #tpu.memory_space<vmem>> -> memref<8x2048xf32, #tpu.memory_space<vmem>>
        %get3A_445 = arith.index_cast %get3A_440 : i32 to index
        %get3A_446 = arith.index_cast %multiple_of3A_423 : i32 to index
        %get3A_447 = tpu.vector_load %get3A_444[%get3A_445, %get3A_446] {strides = array<i32>} : memref<8x2048xf32, #tpu.memory_space<vmem>>, vector<16xf32>,
        %get3A_448 = arith.constant 3 : i32
        %get3A_449 = arith.constant 0 : i32
        %get3A_450 = arith.constant 0 : i32
        %get3A_451 = tpu.memref_slice %arg7[%scan3A_389, %get3A_449, %get3A_450] : memref<4x8x2048xf32, #tpu.memory_space<vmem>> -> memref<1x8x2048xf32, #tpu.memory_space<vmem>>
        %get3A_452 = tpu.memref_squeeze %get3A_451 : memref<1x8x2048xf32, #tpu.memory_space<vmem>> -> memref<8x2048xf32, #tpu.memory_space<vmem>>
        %get3A_453 = arith.index_cast %get3A_448 : i32 to index
        %get3A_454 = arith.index_cast %multiple_of3A_423 : i32 to index
        %get3A_455 = tpu.vector_load %get3A_452[%get3A_453, %get3A_454] {strides = array<i32>} : memref<8x2048xf32, #tpu.memory_space<vmem>>, vector<16xf32>,
        %get3A_456 = arith.constant 4 : i32
        %get3A_457 = arith.constant 0 : i32
        %get3A_458 = arith.constant 0 : i32
        %get3A_459 = tpu.memref_slice %arg7[%scan3A_389, %get3A_457, %get3A_458] : memref<4x8x2048xf32, #tpu.memory_space<vmem>> -> memref<1x8x2048xf32, #tpu.memory_space<vmem>>
        %get3A_460 = tpu.memref_squeeze %get3A_459 : memref<1x8x2048xf32, #tpu.memory_space<vmem>> -> memref<8x2048xf32, #tpu.memory_space<vmem>>
        %get3A_461 = arith.index_cast %get3A_456 : i32 to index
        %get3A_462 = arith.index_cast %multiple_of3A_423 : i32 to index
        %get3A_463 = tpu.vector_load %get3A_460[%get3A_461, %get3A_462] {strides = array<i32>} : memref<8x2048xf32, #tpu.memory_space<vmem>>, vector<16xf32>,
        %get3A_464 = arith.constant 5 : i32
        %get3A_465 = arith.constant 0 : i32
        %get3A_466 = arith.constant 0 : i32
        %get3A_467 = tpu.memref_slice %arg7[%scan3A_389, %get3A_465, %get3A_466] : memref<4x8x2048xf32, #tpu.memory_space<vmem>> -> memref<1x8x2048xf32, #tpu.memory_space<vmem>>
        %get3A_468 = tpu.memref_squeeze %get3A_467 : memref<1x8x2048xf32, #tpu.memory_space<vmem>> -> memref<8x2048xf32, #tpu.memory_space<vmem>>
        %get3A_469 = arith.index_cast %get3A_464 : i32 to index
        %get3A_470 = arith.index_cast %multiple_of3A_423 : i32 to index
        %get3A_471 = tpu.vector_load %get3A_468[%get3A_469, %get3A_470] {strides = array<i32>} : memref<8x2048xf32, #tpu.memory_space<vmem>>, vector<16xf32>,
        %get3A_472 = arith.constant 6 : i32
        %get3A_473 = arith.constant 0 : i32
        %get3A_474 = arith.constant 0 : i32
        %get3A_475 = tpu.memref_slice %arg7[%scan3A_389, %get3A_473, %get3A_474] : memref<4x8x2048xf32, #tpu.memory_space<vmem>> -> memref<1x8x2048xf32, #tpu.memory_space<vmem>>
        %get3A_476 = tpu.memref_squeeze %get3A_475 : memref<1x8x2048xf32, #tpu.memory_space<vmem>> -> memref<8x2048xf32, #tpu.memory_space<vmem>>
        %get3A_477 = arith.index_cast %get3A_472 : i32 to index
        %get3A_478 = arith.index_cast %multiple_of3A_423 : i32 to index
        %get3A_479 = tpu.vector_load %get3A_476[%get3A_477, %get3A_478] {strides = array<i32>} : memref<8x2048xf32, #tpu.memory_space<vmem>>, vector<16xf32>,
        %get3A_480 = arith.constant 7 : i32
        %get3A_481 = arith.constant 0 : i32
        %get3A_482 = arith.constant 0 : i32
        %get3A_483 = tpu.memref_slice %arg7[%scan3A_389, %get3A_481, %get3A_482] : memref<4x8x2048xf32, #tpu.memory_space<vmem>> -> memref<1x8x2048xf32, #tpu.memory_space<vmem>>
        %get3A_484 = tpu.memref_squeeze %get3A_483 : memref<1x8x2048xf32, #tpu.memory_space<vmem>> -> memref<8x2048xf32, #tpu.memory_space<vmem>>
        %get3A_485 = arith.index_cast %get3A_480 : i32 to index
        %get3A_486 = arith.index_cast %multiple_of3A_423 : i32 to index
        %get3A_487 = tpu.vector_load %get3A_484[%get3A_485, %get3A_486] {strides = array<i32>} : memref<8x2048xf32, #tpu.memory_space<vmem>>, vector<16xf32>,
        %scatter3A = arith.constant 0 : i32
        %scatter3A_488 = arith.constant 0 : i32
        %scatter3A_489 = tpu.memref_slice %arg8[%select_n3A_355, %scatter3A, %scatter3A_488] : memref<2x8x2048xf32, #tpu.memory_space<vmem>> -> memref<1x8x2048xf32, #tpu.memory_space<vmem>>
        %scatter3A_490 = tpu.memref_squeeze %scatter3A_489 : memref<1x8x2048xf32, #tpu.memory_space<vmem>> -> memref<8x2048xf32, #tpu.memory_space<vmem>>
        tpu.vector_store_idx %scatter3A_490[%broadcast_in_dim3A_3, %scan3A_414], %get3A_431 : memref<8x2048xf32, #tpu.memory_space<vmem>>[vector<16xi32>, vector<16xi32>], vector<16xf32>,
        %scatter3A_491 = arith.constant 0 : i32
        %scatter3A_492 = arith.constant 0 : i32
        %scatter3A_493 = tpu.memref_slice %arg8[%select_n3A_355, %scatter3A_491, %scatter3A_492] : memref<2x8x2048xf32, #tpu.memory_space<vmem>> -> memref<1x8x2048xf32, #tpu.memory_space<vmem>>
        %scatter3A_494 = tpu.memref_squeeze %scatter3A_493 : memref<1x8x2048xf32, #tpu.memory_space<vmem>> -> memref<8x2048xf32, #tpu.memory_space<vmem>>
        tpu.vector_store_idx %scatter3A_494[%broadcast_in_dim3A_5, %scan3A_414], %get3A_439 : memref<8x2048xf32, #tpu.memory_space<vmem>>[vector<16xi32>, vector<16xi32>], vector<16xf32>,
        %scatter3A_495 = arith.constant 0 : i32
        %scatter3A_496 = arith.constant 0 : i32
        %scatter3A_497 = tpu.memref_slice %arg8[%select_n3A_355, %scatter3A_495, %scatter3A_496] : memref<2x8x2048xf32, #tpu.memory_space<vmem>> -> memref<1x8x2048xf32, #tpu.memory_space<vmem>>
        %scatter3A_498 = tpu.memref_squeeze %scatter3A_497 : memref<1x8x2048xf32, #tpu.memory_space<vmem>> -> memref<8x2048xf32, #tpu.memory_space<vmem>>
        tpu.vector_store_idx %scatter3A_498[%broadcast_in_dim3A_7, %scan3A_414], %get3A_447 : memref<8x2048xf32, #tpu.memory_space<vmem>>[vector<16xi32>, vector<16xi32>], vector<16xf32>,
        %scatter3A_499 = arith.constant 0 : i32
        %scatter3A_500 = arith.constant 0 : i32
        %scatter3A_501 = tpu.memref_slice %arg8[%select_n3A_355, %scatter3A_499, %scatter3A_500] : memref<2x8x2048xf32, #tpu.memory_space<vmem>> -> memref<1x8x2048xf32, #tpu.memory_space<vmem>>
        %scatter3A_502 = tpu.memref_squeeze %scatter3A_501 : memref<1x8x2048xf32, #tpu.memory_space<vmem>> -> memref<8x2048xf32, #tpu.memory_space<vmem>>
        tpu.vector_store_idx %scatter3A_502[%broadcast_in_dim3A_9, %scan3A_414], %get3A_455 : memref<8x2048xf32, #tpu.memory_space<vmem>>[vector<16xi32>, vector<16xi32>], vector<16xf32>,
        %scatter3A_503 = arith.constant 0 : i32
        %scatter3A_504 = arith.constant 0 : i32
        %scatter3A_505 = tpu.memref_slice %arg8[%select_n3A_355, %scatter3A_503, %scatter3A_504] : memref<2x8x2048xf32, #tpu.memory_space<vmem>> -> memref<1x8x2048xf32, #tpu.memory_space<vmem>>
        %scatter3A_506 = tpu.memref_squeeze %scatter3A_505 : memref<1x8x2048xf32, #tpu.memory_space<vmem>> -> memref<8x2048xf32, #tpu.memory_space<vmem>>
        tpu.vector_store_idx %scatter3A_506[%broadcast_in_dim3A_11, %scan3A_414], %get3A_463 : memref<8x2048xf32, #tpu.memory_space<vmem>>[vector<16xi32>, vector<16xi32>], vector<16xf32>,
        %scatter3A_507 = arith.constant 0 : i32
        %scatter3A_508 = arith.constant 0 : i32
        %scatter3A_509 = tpu.memref_slice %arg8[%select_n3A_355, %scatter3A_507, %scatter3A_508] : memref<2x8x2048xf32, #tpu.memory_space<vmem>> -> memref<1x8x2048xf32, #tpu.memory_space<vmem>>
        %scatter3A_510 = tpu.memref_squeeze %scatter3A_509 : memref<1x8x2048xf32, #tpu.memory_space<vmem>> -> memref<8x2048xf32, #tpu.memory_space<vmem>>
        tpu.vector_store_idx %scatter3A_510[%broadcast_in_dim3A_13, %scan3A_414], %get3A_471 : memref<8x2048xf32, #tpu.memory_space<vmem>>[vector<16xi32>, vector<16xi32>], vector<16xf32>,
        %scatter3A_511 = arith.constant 0 : i32
        %scatter3A_512 = arith.constant 0 : i32
        %scatter3A_513 = tpu.memref_slice %arg8[%select_n3A_355, %scatter3A_511, %scatter3A_512] : memref<2x8x2048xf32, #tpu.memory_space<vmem>> -> memref<1x8x2048xf32, #tpu.memory_space<vmem>>
        %scatter3A_514 = tpu.memref_squeeze %scatter3A_513 : memref<1x8x2048xf32, #tpu.memory_space<vmem>> -> memref<8x2048xf32, #tpu.memory_space<vmem>>
        tpu.vector_store_idx %scatter3A_514[%broadcast_in_dim3A_15, %scan3A_414], %get3A_479 : memref<8x2048xf32, #tpu.memory_space<vmem>>[vector<16xi32>, vector<16xi32>], vector<16xf32>,
        %scatter3A_515 = arith.constant 0 : i32
        %scatter3A_516 = arith.constant 0 : i32
        %scatter3A_517 = tpu.memref_slice %arg8[%select_n3A_355, %scatter3A_515, %scatter3A_516] : memref<2x8x2048xf32, #tpu.memory_space<vmem>> -> memref<1x8x2048xf32, #tpu.memory_space<vmem>>
        %scatter3A_518 = tpu.memref_squeeze %scatter3A_517 : memref<1x8x2048xf32, #tpu.memory_space<vmem>> -> memref<8x2048xf32, #tpu.memory_space<vmem>>
        tpu.vector_store_idx %scatter3A_518[%broadcast_in_dim3A_17, %scan3A_414], %get3A_487 : memref<8x2048xf32, #tpu.memory_space<vmem>>[vector<16xi32>, vector<16xi32>], vector<16xf32>,
        %scan3A_519 = arith.constant 1 : i32
        %scan3A_520 = arith.addi %scan3A_413, %scan3A_519 : i32
        %mul3A_521 = arith.constant 16 : i32
        %mul3A_522 = arith.muli %scan3A_520, %mul3A_521 : i32
        %add3A_523 = arith.constant 16 : i32
        %add3A_524 = arith.addi %mul3A_522, %add3A_523 : i32
        %multiple_of3A_525 = tpu.assume_multiple %add3A_524, 16 : i32
        %get3A_526 = arith.index_cast %multiple_of3A_525 : i32 to index
        %get3A_527 = tpu.vector_load %arg5[%get3A_526] {strides = array<i32>} : memref<2064xi32, #tpu.memory_space<vmem>>, vector<16xi32>,
        %mul3A_528 = arith.constant 16 : i32
        %mul3A_529 = arith.muli %scan3A_520, %mul3A_528 : i32
        %multiple_of3A_530 = tpu.assume_multiple %mul3A_529, 16 : i32
        %get3A_531 = arith.constant 0 : i32
        %get3A_532 = arith.constant 0 : i32
        %get3A_533 = arith.constant 0 : i32
        %get3A_534 = tpu.memref_slice %arg7[%scan3A_389, %get3A_532, %get3A_533] : memref<4x8x2048xf32, #tpu.memory_space<vmem>> -> memref<1x8x2048xf32, #tpu.memory_space<vmem>>
        %get3A_535 = tpu.memref_squeeze %get3A_534 : memref<1x8x2048xf32, #tpu.memory_space<vmem>> -> memref<8x2048xf32, #tpu.memory_space<vmem>>
        %get3A_536 = arith.index_cast %get3A_531 : i32 to index
        %get3A_537 = arith.index_cast %multiple_of3A_530 : i32 to index
        %get3A_538 = tpu.vector_load %get3A_535[%get3A_536, %get3A_537] {strides = array<i32>} : memref<8x2048xf32, #tpu.memory_space<vmem>>, vector<16xf32>,
        %get3A_539 = arith.constant 1 : i32
        %get3A_540 = arith.constant 0 : i32
        %get3A_541 = arith.constant 0 : i32
        %get3A_542 = tpu.memref_slice %arg7[%scan3A_389, %get3A_540, %get3A_541] : memref<4x8x2048xf32, #tpu.memory_space<vmem>> -> memref<1x8x2048xf32, #tpu.memory_space<vmem>>
        %get3A_543 = tpu.memref_squeeze %get3A_542 : memref<1x8x2048xf32, #tpu.memory_space<vmem>> -> memref<8x2048xf32, #tpu.memory_space<vmem>>
        %get3A_544 = arith.index_cast %get3A_539 : i32 to index
        %get3A_545 = arith.index_cast %multiple_of3A_530 : i32 to index
        %get3A_546 = tpu.vector_load %get3A_543[%get3A_544, %get3A_545] {strides = array<i32>} : memref<8x2048xf32, #tpu.memory_space<vmem>>, vector<16xf32>,
        %get3A_547 = arith.constant 2 : i32
        %get3A_548 = arith.constant 0 : i32
        %get3A_549 = arith.constant 0 : i32
        %get3A_550 = tpu.memref_slice %arg7[%scan3A_389, %get3A_548, %get3A_549] : memref<4x8x2048xf32, #tpu.memory_space<vmem>> -> memref<1x8x2048xf32, #tpu.memory_space<vmem>>
        %get3A_551 = tpu.memref_squeeze %get3A_550 : memref<1x8x2048xf32, #tpu.memory_space<vmem>> -> memref<8x2048xf32, #tpu.memory_space<vmem>>
        %get3A_552 = arith.index_cast %get3A_547 : i32 to index
        %get3A_553 = arith.index_cast %multiple_of3A_530 : i32 to index
        %get3A_554 = tpu.vector_load %get3A_551[%get3A_552, %get3A_553] {strides = array<i32>} : memref<8x2048xf32, #tpu.memory_space<vmem>>, vector<16xf32>,
        %get3A_555 = arith.constant 3 : i32
        %get3A_556 = arith.constant 0 : i32
        %get3A_557 = arith.constant 0 : i32
        %get3A_558 = tpu.memref_slice %arg7[%scan3A_389, %get3A_556, %get3A_557] : memref<4x8x2048xf32, #tpu.memory_space<vmem>> -> memref<1x8x2048xf32, #tpu.memory_space<vmem>>
        %get3A_559 = tpu.memref_squeeze %get3A_558 : memref<1x8x2048xf32, #tpu.memory_space<vmem>> -> memref<8x2048xf32, #tpu.memory_space<vmem>>
        %get3A_560 = arith.index_cast %get3A_555 : i32 to index
        %get3A_561 = arith.index_cast %multiple_of3A_530 : i32 to index
        %get3A_562 = tpu.vector_load %get3A_559[%get3A_560, %get3A_561] {strides = array<i32>} : memref<8x2048xf32, #tpu.memory_space<vmem>>, vector<16xf32>,
        %get3A_563 = arith.constant 4 : i32
        %get3A_564 = arith.constant 0 : i32
        %get3A_565 = arith.constant 0 : i32
        %get3A_566 = tpu.memref_slice %arg7[%scan3A_389, %get3A_564, %get3A_565] : memref<4x8x2048xf32, #tpu.memory_space<vmem>> -> memref<1x8x2048xf32, #tpu.memory_space<vmem>>
        %get3A_567 = tpu.memref_squeeze %get3A_566 : memref<1x8x2048xf32, #tpu.memory_space<vmem>> -> memref<8x2048xf32, #tpu.memory_space<vmem>>
        %get3A_568 = arith.index_cast %get3A_563 : i32 to index
        %get3A_569 = arith.index_cast %multiple_of3A_530 : i32 to index
        %get3A_570 = tpu.vector_load %get3A_567[%get3A_568, %get3A_569] {strides = array<i32>} : memref<8x2048xf32, #tpu.memory_space<vmem>>, vector<16xf32>,
        %get3A_571 = arith.constant 5 : i32
        %get3A_572 = arith.constant 0 : i32
        %get3A_573 = arith.constant 0 : i32
        %get3A_574 = tpu.memref_slice %arg7[%scan3A_389, %get3A_572, %get3A_573] : memref<4x8x2048xf32, #tpu.memory_space<vmem>> -> memref<1x8x2048xf32, #tpu.memory_space<vmem>>
        %get3A_575 = tpu.memref_squeeze %get3A_574 : memref<1x8x2048xf32, #tpu.memory_space<vmem>> -> memref<8x2048xf32, #tpu.memory_space<vmem>>
        %get3A_576 = arith.index_cast %get3A_571 : i32 to index
        %get3A_577 = arith.index_cast %multiple_of3A_530 : i32 to index
        %get3A_578 = tpu.vector_load %get3A_575[%get3A_576, %get3A_577] {strides = array<i32>} : memref<8x2048xf32, #tpu.memory_space<vmem>>, vector<16xf32>,
        %get3A_579 = arith.constant 6 : i32
        %get3A_580 = arith.constant 0 : i32
        %get3A_581 = arith.constant 0 : i32
        %get3A_582 = tpu.memref_slice %arg7[%scan3A_389, %get3A_580, %get3A_581] : memref<4x8x2048xf32, #tpu.memory_space<vmem>> -> memref<1x8x2048xf32, #tpu.memory_space<vmem>>
        %get3A_583 = tpu.memref_squeeze %get3A_582 : memref<1x8x2048xf32, #tpu.memory_space<vmem>> -> memref<8x2048xf32, #tpu.memory_space<vmem>>
        %get3A_584 = arith.index_cast %get3A_579 : i32 to index
        %get3A_585 = arith.index_cast %multiple_of3A_530 : i32 to index
        %get3A_586 = tpu.vector_load %get3A_583[%get3A_584, %get3A_585] {strides = array<i32>} : memref<8x2048xf32, #tpu.memory_space<vmem>>, vector<16xf32>,
        %get3A_587 = arith.constant 7 : i32
        %get3A_588 = arith.constant 0 : i32
        %get3A_589 = arith.constant 0 : i32
        %get3A_590 = tpu.memref_slice %arg7[%scan3A_389, %get3A_588, %get3A_589] : memref<4x8x2048xf32, #tpu.memory_space<vmem>> -> memref<1x8x2048xf32, #tpu.memory_space<vmem>>
        %get3A_591 = tpu.memref_squeeze %get3A_590 : memref<1x8x2048xf32, #tpu.memory_space<vmem>> -> memref<8x2048xf32, #tpu.memory_space<vmem>>
        %get3A_592 = arith.index_cast %get3A_587 : i32 to index
        %get3A_593 = arith.index_cast %multiple_of3A_530 : i32 to index
        %get3A_594 = tpu.vector_load %get3A_591[%get3A_592, %get3A_593] {strides = array<i32>} : memref<8x2048xf32, #tpu.memory_space<vmem>>, vector<16xf32>,
        %scatter3A_595 = arith.constant 0 : i32
        %scatter3A_596 = arith.constant 0 : i32
        %scatter3A_597 = tpu.memref_slice %arg8[%select_n3A_355, %scatter3A_595, %scatter3A_596] : memref<2x8x2048xf32, #tpu.memory_space<vmem>> -> memref<1x8x2048xf32, #tpu.memory_space<vmem>>
        %scatter3A_598 = tpu.memref_squeeze %scatter3A_597 : memref<1x8x2048xf32, #tpu.memory_space<vmem>> -> memref<8x2048xf32, #tpu.memory_space<vmem>>
        tpu.vector_store_idx %scatter3A_598[%broadcast_in_dim3A_3, %get3A_420], %get3A_538 : memref<8x2048xf32, #tpu.memory_space<vmem>>[vector<16xi32>, vector<16xi32>], vector<16xf32>,
        %scatter3A_599 = arith.constant 0 : i32
        %scatter3A_600 = arith.constant 0 : i32
        %scatter3A_601 = tpu.memref_slice %arg8[%select_n3A_355, %scatter3A_599, %scatter3A_600] : memref<2x8x2048xf32, #tpu.memory_space<vmem>> -> memref<1x8x2048xf32, #tpu.memory_space<vmem>>
        %scatter3A_602 = tpu.memref_squeeze %scatter3A_601 : memref<1x8x2048xf32, #tpu.memory_space<vmem>> -> memref<8x2048xf32, #tpu.memory_space<vmem>>
        tpu.vector_store_idx %scatter3A_602[%broadcast_in_dim3A_5, %get3A_420], %get3A_546 : memref<8x2048xf32, #tpu.memory_space<vmem>>[vector<16xi32>, vector<16xi32>], vector<16xf32>,
        %scatter3A_603 = arith.constant 0 : i32
        %scatter3A_604 = arith.constant 0 : i32
        %scatter3A_605 = tpu.memref_slice %arg8[%select_n3A_355, %scatter3A_603, %scatter3A_604] : memref<2x8x2048xf32, #tpu.memory_space<vmem>> -> memref<1x8x2048xf32, #tpu.memory_space<vmem>>
        %scatter3A_606 = tpu.memref_squeeze %scatter3A_605 : memref<1x8x2048xf32, #tpu.memory_space<vmem>> -> memref<8x2048xf32, #tpu.memory_space<vmem>>
        tpu.vector_store_idx %scatter3A_606[%broadcast_in_dim3A_7, %get3A_420], %get3A_554 : memref<8x2048xf32, #tpu.memory_space<vmem>>[vector<16xi32>, vector<16xi32>], vector<16xf32>,
        %scatter3A_607 = arith.constant 0 : i32
        %scatter3A_608 = arith.constant 0 : i32
        %scatter3A_609 = tpu.memref_slice %arg8[%select_n3A_355, %scatter3A_607, %scatter3A_608] : memref<2x8x2048xf32, #tpu.memory_space<vmem>> -> memref<1x8x2048xf32, #tpu.memory_space<vmem>>
        %scatter3A_610 = tpu.memref_squeeze %scatter3A_609 : memref<1x8x2048xf32, #tpu.memory_space<vmem>> -> memref<8x2048xf32, #tpu.memory_space<vmem>>
        tpu.vector_store_idx %scatter3A_610[%broadcast_in_dim3A_9, %get3A_420], %get3A_562 : memref<8x2048xf32, #tpu.memory_space<vmem>>[vector<16xi32>, vector<16xi32>], vector<16xf32>,
        %scatter3A_611 = arith.constant 0 : i32
        %scatter3A_612 = arith.constant 0 : i32
        %scatter3A_613 = tpu.memref_slice %arg8[%select_n3A_355, %scatter3A_611, %scatter3A_612] : memref<2x8x2048xf32, #tpu.memory_space<vmem>> -> memref<1x8x2048xf32, #tpu.memory_space<vmem>>
        %scatter3A_614 = tpu.memref_squeeze %scatter3A_613 : memref<1x8x2048xf32, #tpu.memory_space<vmem>> -> memref<8x2048xf32, #tpu.memory_space<vmem>>
        tpu.vector_store_idx %scatter3A_614[%broadcast_in_dim3A_11, %get3A_420], %get3A_570 : memref<8x2048xf32, #tpu.memory_space<vmem>>[vector<16xi32>, vector<16xi32>], vector<16xf32>,
        %scatter3A_615 = arith.constant 0 : i32
        %scatter3A_616 = arith.constant 0 : i32
        %scatter3A_617 = tpu.memref_slice %arg8[%select_n3A_355, %scatter3A_615, %scatter3A_616] : memref<2x8x2048xf32, #tpu.memory_space<vmem>> -> memref<1x8x2048xf32, #tpu.memory_space<vmem>>
        %scatter3A_618 = tpu.memref_squeeze %scatter3A_617 : memref<1x8x2048xf32, #tpu.memory_space<vmem>> -> memref<8x2048xf32, #tpu.memory_space<vmem>>
        tpu.vector_store_idx %scatter3A_618[%broadcast_in_dim3A_13, %get3A_420], %get3A_578 : memref<8x2048xf32, #tpu.memory_space<vmem>>[vector<16xi32>, vector<16xi32>], vector<16xf32>,
        %scatter3A_619 = arith.constant 0 : i32
        %scatter3A_620 = arith.constant 0 : i32
        %scatter3A_621 = tpu.memref_slice %arg8[%select_n3A_355, %scatter3A_619, %scatter3A_620] : memref<2x8x2048xf32, #tpu.memory_space<vmem>> -> memref<1x8x2048xf32, #tpu.memory_space<vmem>>
        %scatter3A_622 = tpu.memref_squeeze %scatter3A_621 : memref<1x8x2048xf32, #tpu.memory_space<vmem>> -> memref<8x2048xf32, #tpu.memory_space<vmem>>
        tpu.vector_store_idx %scatter3A_622[%broadcast_in_dim3A_15, %get3A_420], %get3A_586 : memref<8x2048xf32, #tpu.memory_space<vmem>>[vector<16xi32>, vector<16xi32>], vector<16xf32>,
        %scatter3A_623 = arith.constant 0 : i32
        %scatter3A_624 = arith.constant 0 : i32
        %scatter3A_625 = tpu.memref_slice %arg8[%select_n3A_355, %scatter3A_623, %scatter3A_624] : memref<2x8x2048xf32, #tpu.memory_space<vmem>> -> memref<1x8x2048xf32, #tpu.memory_space<vmem>>
        %scatter3A_626 = tpu.memref_squeeze %scatter3A_625 : memref<1x8x2048xf32, #tpu.memory_space<vmem>> -> memref<8x2048xf32, #tpu.memory_space<vmem>>
        tpu.vector_store_idx %scatter3A_626[%broadcast_in_dim3A_17, %get3A_420], %get3A_594 : memref<8x2048xf32, #tpu.memory_space<vmem>>[vector<16xi32>, vector<16xi32>], vector<16xf32>,
        scf.yield %get3A_527 : vector<16xi32>
      }
      %scan3A_395 = arith.constant 128 : i32
      %mul3A_396 = arith.constant 8 : i32
      %mul3A_397 = arith.muli %add3A_339, %mul3A_396 : i32
      %add3A_398 = arith.addi %mul3A_2, %mul3A_397 : i32
      %dma_start3A_399 = arith.constant 0 : i32
      %dma_start3A_400 = arith.constant 0 : i32
      %dma_start3A_401 = tpu.memref_slice %arg8[%select_n3A_355, %dma_start3A_399, %dma_start3A_400] : memref<2x8x2048xf32, #tpu.memory_space<vmem>> -> memref<1x8x2048xf32, #tpu.memory_space<vmem>>
      %dma_start3A_402 = tpu.memref_squeeze %dma_start3A_401 : memref<1x8x2048xf32, #tpu.memory_space<vmem>> -> memref<8x2048xf32, #tpu.memory_space<vmem>>
      %dma_start3A_403 = arith.constant 0 : i32
      %dma_start3A_404 = tpu.memref_slice %arg4[%add3A_398, %dma_start3A_403] : memref<16384x2048xf32, #tpu.memory_space<hbm>> -> memref<8x2048xf32, #tpu.memory_space<hbm>>
      %dma_start3A_405 = tpu.memref_slice %arg10[%select_n3A_355] : memref<2x!tpu.dma_semaphore, #tpu.memory_space<semaphore_mem>> -> memref<1x!tpu.dma_semaphore, #tpu.memory_space<semaphore_mem>>
      %dma_start3A_406 = tpu.memref_squeeze %dma_start3A_405 : memref<1x!tpu.dma_semaphore, #tpu.memory_space<semaphore_mem>> -> memref<!tpu.dma_semaphore, #tpu.memory_space<semaphore_mem>>
      %dma_start3A_407 = arith.constant 0 : i32
      %dma_start3A_408 = tpu.memref_slice %arg4[%add3A_398, %dma_start3A_407] : memref<16384x2048xf32, #tpu.memory_space<hbm>> -> memref<8x2048xf32, #tpu.memory_space<hbm>>
      %dma_start3A_409 = arith.constant 0 : i32
      %dma_start3A_410 = arith.constant 0 : i32
      %dma_start3A_411 = tpu.memref_slice %arg8[%select_n3A_355, %dma_start3A_409, %dma_start3A_410] : memref<2x8x2048xf32, #tpu.memory_space<vmem>> -> memref<1x8x2048xf32, #tpu.memory_space<vmem>>
      %dma_start3A_412 = tpu.memref_squeeze %dma_start3A_411 : memref<1x8x2048xf32, #tpu.memory_space<vmem>> -> memref<8x2048xf32, #tpu.memory_space<vmem>>
      tpu.enqueue_dma source(%dma_start3A_412 : memref<8x2048xf32, #tpu.memory_space<vmem>>) target(%dma_start3A_408 : memref<8x2048xf32, #tpu.memory_space<hbm>>) target_semaphore(%dma_start3A_406 : memref<!tpu.dma_semaphore, #tpu.memory_space<semaphore_mem>>)
    }
    %scan3A_79 = arith.constant 16 : i32
    %add3A_80 = arith.constant 496 : i32
    %add3A_81 = arith.addi %mul3A_2, %add3A_80 : i32
    %dma_wait3A = arith.constant 0 : i32
    %dma_wait3A_82 = arith.constant 0 : i32
    %dma_wait3A_83 = arith.constant 0 : i32
    %dma_wait3A_84 = arith.constant 0 : i32
    %dma_wait3A_85 = tpu.memref_slice %arg8[%dma_wait3A, %dma_wait3A_83, %dma_wait3A_84] : memref<2x8x2048xf32, #tpu.memory_space<vmem>> -> memref<1x8x2048xf32, #tpu.memory_space<vmem>>
    %dma_wait3A_86 = tpu.memref_squeeze %dma_wait3A_85 : memref<1x8x2048xf32, #tpu.memory_space<vmem>> -> memref<8x2048xf32, #tpu.memory_space<vmem>>
    %dma_wait3A_87 = arith.constant 0 : i32
    %dma_wait3A_88 = tpu.memref_slice %arg4[%add3A_81, %dma_wait3A_87] : memref<16384x2048xf32, #tpu.memory_space<hbm>> -> memref<8x2048xf32, #tpu.memory_space<hbm>>
    %dma_wait3A_89 = tpu.memref_slice %arg10[%dma_wait3A_82] : memref<2x!tpu.dma_semaphore, #tpu.memory_space<semaphore_mem>> -> memref<1x!tpu.dma_semaphore, #tpu.memory_space<semaphore_mem>>
    %dma_wait3A_90 = tpu.memref_squeeze %dma_wait3A_89 : memref<1x!tpu.dma_semaphore, #tpu.memory_space<semaphore_mem>> -> memref<!tpu.dma_semaphore, #tpu.memory_space<semaphore_mem>>
    %dma_wait3A_91 = arith.constant 0 : i32
    %dma_wait3A_92 = tpu.memref_slice %arg4[%add3A_81, %dma_wait3A_91] : memref<16384x2048xf32, #tpu.memory_space<hbm>> -> memref<8x2048xf32, #tpu.memory_space<hbm>>
    %dma_wait3A_93 = arith.constant 0 : i32
    %dma_wait3A_94 = arith.constant 0 : i32
    %dma_wait3A_95 = tpu.memref_slice %arg8[%dma_wait3A, %dma_wait3A_93, %dma_wait3A_94] : memref<2x8x2048xf32, #tpu.memory_space<vmem>> -> memref<1x8x2048xf32, #tpu.memory_space<vmem>>
    %dma_wait3A_96 = tpu.memref_squeeze %dma_wait3A_95 : memref<1x8x2048xf32, #tpu.memory_space<vmem>> -> memref<8x2048xf32, #tpu.memory_space<vmem>>
    tpu.wait_dma2 semaphore(%dma_wait3A_90 : memref<!tpu.dma_semaphore, #tpu.memory_space<semaphore_mem>>) src(%dma_wait3A_96 : memref<8x2048xf32, #tpu.memory_space<vmem>>) dst(%dma_wait3A_92 : memref<8x2048xf32, #tpu.memory_space<hbm>>)
    %add3A_97 = arith.constant 504 : i32
    %add3A_98 = arith.addi %mul3A_2, %add3A_97 : i32
    %dma_wait3A_99 = arith.constant 1 : i32
    %dma_wait3A_100 = arith.constant 1 : i32
    %dma_wait3A_101 = arith.constant 0 : i32
    %dma_wait3A_102 = arith.constant 0 : i32
    %dma_wait3A_103 = tpu.memref_slice %arg8[%dma_wait3A_99, %dma_wait3A_101, %dma_wait3A_102] : memref<2x8x2048xf32, #tpu.memory_space<vmem>> -> memref<1x8x2048xf32, #tpu.memory_space<vmem>>
    %dma_wait3A_104 = tpu.memref_squeeze %dma_wait3A_103 : memref<1x8x2048xf32, #tpu.memory_space<vmem>> -> memref<8x2048xf32, #tpu.memory_space<vmem>>
    %dma_wait3A_105 = arith.constant 0 : i32
    %dma_wait3A_106 = tpu.memref_slice %arg4[%add3A_98, %dma_wait3A_105] : memref<16384x2048xf32, #tpu.memory_space<hbm>> -> memref<8x2048xf32, #tpu.memory_space<hbm>>
    %dma_wait3A_107 = tpu.memref_slice %arg10[%dma_wait3A_100] : memref<2x!tpu.dma_semaphore, #tpu.memory_space<semaphore_mem>> -> memref<1x!tpu.dma_semaphore, #tpu.memory_space<semaphore_mem>>
    %dma_wait3A_108 = tpu.memref_squeeze %dma_wait3A_107 : memref<1x!tpu.dma_semaphore, #tpu.memory_space<semaphore_mem>> -> memref<!tpu.dma_semaphore, #tpu.memory_space<semaphore_mem>>
    %dma_wait3A_109 = arith.constant 0 : i32
    %dma_wait3A_110 = tpu.memref_slice %arg4[%add3A_98, %dma_wait3A_109] : memref<16384x2048xf32, #tpu.memory_space<hbm>> -> memref<8x2048xf32, #tpu.memory_space<hbm>>
    %dma_wait3A_111 = arith.constant 0 : i32
    %dma_wait3A_112 = arith.constant 0 : i32
    %dma_wait3A_113 = tpu.memref_slice %arg8[%dma_wait3A_99, %dma_wait3A_111, %dma_wait3A_112] : memref<2x8x2048xf32, #tpu.memory_space<vmem>> -> memref<1x8x2048xf32, #tpu.memory_space<vmem>>
    %dma_wait3A_114 = tpu.memref_squeeze %dma_wait3A_113 : memref<1x8x2048xf32, #tpu.memory_space<vmem>> -> memref<8x2048xf32, #tpu.memory_space<vmem>>
    tpu.wait_dma2 semaphore(%dma_wait3A_108 : memref<!tpu.dma_semaphore, #tpu.memory_space<semaphore_mem>>) src(%dma_wait3A_114 : memref<8x2048xf32, #tpu.memory_space<vmem>>) dst(%dma_wait3A_110 : memref<8x2048xf32, #tpu.memory_space<hbm>>)
    return
  }
}

</mosaic_0001>

<sc_bundles>
// kernel: kernel.3.cloned.1.call-start
scs
__scs_entry_jumppad:
0x0: {  	(pc) =	sbr.rel $0x88, $3  }
0x1: {  	(tag) =	ssettag $0x0;
	lr =	simm.s32 $0x1  }
0x2: {  	[smem:$0x3F9E] =	sst lr;
	_ =	strace $0xD0000000  }
0x3: {  	_ = 	snop  }
0x4: {  	_ = 	snop  }
0x5: {  	_ = 	snop  }
0x6: {  	_ = 	snop  }
0x7: {  	_ = 	snop  }
__scs_overlays_trampoline_lowered:
0x8: {  	[smem:$0x3FAD] =	sst s0  }
0x9: {  	[smem:$0x3FAE] =	sst s1  }
0xa: {  	[smem:$0x3FAF] =	sst s2  }
0xb: {  	[smem:$0x3FB0] =	sst s3  }
0xc: {  	[smem:$0x3FB1] =	sst s4  }
0xd: {  	[smem:$0x3FB2] =	sst s5  }
0xe: {  	[smem:$0x3FB3] =	sst s6  }
0xf: {  	[smem:$0x3FB4] =	sst s7  }
0x10: {  	[smem:$0x3FB5] =	sst s8  }
0x11: {  	[smem:$0x3FB6] =	sst s9;
	s0 =	simm.s32 @!p0 $0x0  }
0x12: {  	s1 =	sld [smem:$0x3F9C];
	s0 =	simm.s32 @p0 $0x1  }
0x13: {  	[smem:$0x3FB7] =	sst s0;
	s0 =	simm.s32 @!p1 $0x0  }
0x14: {  	s2 =	sld [smem:$0x3F9B];
	s0 =	simm.s32 @p1 $0x1  }
0x15: {  	[smem:$0x3FB8] =	sst s0;
	s0 =	simm.s32 @!p2 $0x0  }
0x16: {  	s3 =	sld [smem:$0x3FDB];
	s0 =	simm.s32 @p2 $0x1  }
0x17: {  	s4 =	simm.s32 $0x1BF5;
	[smem:$0x3FBA] =	sst s0  }
0x18: {  	s0 =	sld [smem:$0x3F9D];
	_ =	swait.ge [sflag:s4], $0x0  }
0x19: {  	s7 =	sld [smem:$0x3F9E]  }
0x1a: {  	s8 =	sadd.s32 $0xFFFFE003, lr  }
0x1b: {  	s9 =	sadd.s32 $0xFFFFFEF7, lr;
	s5 =	simm.s32 $0xFFFFFFFF;
	p2 =	slt.u32 s8, $0xFFFFF086  }
0x1c: {  	p1 =	slt.u32 s9, $0xF7A;
	s5 =	simm.s32 @!p2 $0x0  }
0x1d: {  	s5 =	simm.s32 @p1 $0x1;
	p0 =	seq.s32 s7, s2  }
0x1e: {  	s7 =	smul.u32 @!p0 $0xF7A, s2;
	p2 =	seq.s32 @!p0 s5, $0x0  }
0x1f: {  	s9 =	smul.u32 $0xF7A, s1;
	s8 =	simm.s32 @!p0 $0x1BF5;
	p2 =	por !p2, p0  }
0x20: {  	[sflag:s8] =	ssyncset.s32 @!p0 $0xFFFFF086;
	s6 =	sadd.s32 @!p0 s3, s7;
	s7 =	simm.s32 @!p0 $0x108  }
0x21: {  	s3 =	sadd.s32 s3, s9;
	s6 =	sadd.s32 @!p0 $0x88, s6;
	s7 =	simm.s32 @p2 $0x1082  }
0x22: {  	[simem:s7], [sflag:s8] =	dma.local @!p0 [hbm:s6], $0xF7A  }
0x23: {  	s9 =	sor.u32 $0xD0000000, s2;
	s6 =	simm.s32 $0x108;
	_ =	swait.ge @!p0 [sflag:s8], $0x0  }
0x24: {  	s3 =	sadd.s32 $0x88, s3;
	s6 =	simm.s32 @!p1 $0x1082;
	[sflag:s4] =	ssyncset.s32 $0xFFFFF086  }
0x25: {  	[simem:s6], [sflag:s4] =	dma.local [hbm:s3], $0xF7A  }
0x26: {  	[smem:$0x3F9E] =	sst s1;
	(tag) =	ssettag s2;
	_ =	strace s9  }
0x27: {  	s1 =	sld [smem:$0x3FAE]  }
0x28: {  	s2 =	sld [smem:$0x3FAF]  }
0x29: {  	s4 =	sld [smem:$0x3FB1]  }
0x2a: {  	p0 =	seq.s32 s5, $0x0;
	s5 =	sld [smem:$0x3FB2]  }
0x2b: {  	s6 =	sld [smem:$0x3FB3]  }
0x2c: {  	s7 =	sld [smem:$0x3FB4]  }
0x2d: {  	s3 =	simm.s32 $0x108;
	s8 =	sld [smem:$0x3FB5]  }
0x2e: {  	s3 =	simm.s32 @!p0 $0x1082;
	s9 =	sld [smem:$0x3FB6]  }
0x2f: {  	lr =	sadd.s32 s0, s3;
	s0 =	sld [smem:$0x3FAD]  }
0x30: {  	s3 =	sld [smem:$0x3FB0]  }
0x31: {  	[smem:$0x3FB9] =	sst s10  }
0x32: {  	s10 =	sld [smem:$0x3FB7];
	_ =	sdelay $0x3  }
0x33: {  	p0 =	seq.s32 s10, $0x1;
	s10 =	sld [smem:$0x3FB9];
	_ =	sdelay $0x3  }
0x34: {  	[smem:$0x3FB9] =	sst s10  }
0x35: {  	s10 =	sld [smem:$0x3FB8];
	_ =	sdelay $0x3  }
0x36: {  	p1 =	seq.s32 s10, $0x1;
	s10 =	sld [smem:$0x3FB9];
	_ =	sdelay $0x3  }
0x37: {  	[smem:$0x3FB9] =	sst s10  }
0x38: {  	s10 =	sld [smem:$0x3FBA]  }
0x39: {  	_ = 	snop;
	(pc) =	sbr.ind lr, $3  }
0x3a: {  	_ = 	snop  }
0x3b: {  	_ = 	snop  }
0x3c: {  	p2 =	seq.s32 s10, $0x1;
	s10 =	sld [smem:$0x3FB9]  }
0x3d: {  	_ =	shalt  }
0x3e: {  	_ =	shalt  }
0x3f: {  	_ =	shalt  }
0x40: {  	_ =	shalt  }
0x41: {  	_ =	shalt  }
0x42: {  	_ =	shalt  }
0x43: {  	_ =	shalt  }
0x44: {  	_ =	shalt  }
0x45: {  	_ =	shalt  }
0x46: {  	_ =	shalt  }
0x47: {  	_ =	shalt  }
0x48: {  	_ =	shalt  }
0x49: {  	_ =	shalt  }
0x4a: {  	_ =	shalt  }
0x4b: {  	_ =	shalt  }
0x4c: {  	_ =	shalt  }
0x4d: {  	_ =	shalt  }
0x4e: {  	_ =	shalt  }
0x4f: {  	_ =	shalt  }
0x50: {  	_ =	shalt  }
0x51: {  	_ =	shalt  }
0x52: {  	_ =	shalt  }
0x53: {  	_ =	shalt  }
0x54: {  	_ =	shalt  }
0x55: {  	_ =	shalt  }
0x56: {  	_ =	shalt  }
0x57: {  	_ =	shalt  }
0x58: {  	_ =	shalt  }
0x59: {  	_ =	shalt  }
0x5a: {  	_ =	shalt  }
0x5b: {  	_ =	shalt  }
0x5c: {  	_ =	shalt  }
0x5d: {  	_ =	shalt  }
0x5e: {  	_ =	shalt  }
0x5f: {  	_ =	shalt  }
0x60: {  	_ =	shalt  }
0x61: {  	_ =	shalt  }
0x62: {  	_ =	shalt  }
0x63: {  	_ =	shalt  }
0x64: {  	_ =	shalt  }
0x65: {  	_ =	shalt  }
0x66: {  	_ =	shalt  }
0x67: {  	_ =	shalt  }
0x68: {  	_ =	shalt  }
0x69: {  	_ =	shalt  }
0x6a: {  	_ =	shalt  }
0x6b: {  	_ =	shalt  }
0x6c: {  	_ =	shalt  }
0x6d: {  	_ =	shalt  }
0x6e: {  	_ =	shalt  }
0x6f: {  	_ =	shalt  }
0x70: {  	_ =	shalt  }
0x71: {  	_ =	shalt  }
0x72: {  	_ =	shalt  }
0x73: {  	_ =	shalt  }
0x74: {  	_ =	shalt  }
0x75: {  	_ =	shalt  }
0x76: {  	_ =	shalt  }
0x77: {  	_ =	shalt  }
0x78: {  	_ =	shalt  }
0x79: {  	_ =	shalt  }
0x7a: {  	_ =	shalt  }
0x7b: {  	_ =	shalt  }
0x7c: {  	_ =	shalt  }
0x7d: {  	_ =	shalt  }
0x7e: {  	_ =	shalt  }
0x7f: {  	_ =	shalt  }
0x80: {  	_ =	shalt  }
0x81: {  	_ =	shalt  }
0x82: {  	_ =	shalt  }
0x83: {  	_ =	shalt  }
0x84: {  	_ =	shalt  }
0x85: {  	_ =	shalt  }
0x86: {  	_ =	shalt  }
0x87: {  	_ =	shalt  }
.Lfunc_end0:
.L_simem_size_0:
called_computation_lowered:
.L_overlay_start_0:
0x88: {  	s2 =	sld [smem:$0x3FD9]  }
0x89: {  	s3 =	sld [smem:$0x3FFE];
	_ =	sdelay $0x1  }
0x8a: {  	s1 =	srdreg.scid  }
0x8b: {  	s0 =	sand.u32 $0x1, s1  }
0x8c: {  	s15 =	sshll.u32 s0, $0xA;
	s2 =	sadd.s32 s3, s2  }
0x8d: {  	s2 =	sadd.s32 s2, s15  }
0x8e: {  	[smem:$0x3FC5] =	sst s2  }
0x8f: {  	_ = 	snop  }
0x90: {  	s2 =	sld [smem:$0x3FD0];
	_ =	sdelay $0x1  }
0x91: {  	s16 =	sld [smem:$0x3FC9]  }
0x92: {  	s5 =	simm.s32 $0xA;
	s6 =	simm.s32 $0x10;
	s4 =	sld [smem:$0x3FC7]  }
0x93: {  	[smem:s6], [sflag:s5] =	dma.local [hbm:s2], $0x1  }
0x94: {  	_ =	swait.eq [sflag:s5], $0x1  }
0x95: {  	[sflag:s5] =	ssyncset.done $0x0  }
0x96: {  	[sflag:s5] =	ssyncadd.s32 $0xFFFFFFFF  }
0x97: {  	s17 =	sld [smem:$0x10];
	(tm) =	ssettm $0x1  }
0x98: {  	s18 =	sld [smem:$0x3FFB];
	_ =	sdelay $0x3  }
0x99: {  	_ =	strace s18  }
0x9a: {  	s5 =	sld [smem:$0x3FFC];
	_ =	sdelay $0x3  }
0x9b: {  	_ =	strace s5  }
0x9c: {  	s5 =	sld [smem:$0x3FFD];
	_ =	sdelay $0x3  }
0x9d: {  	_ =	strace s5  }
0x9e: {  	_ =	strace $0x8FFFFFFF  }
0x9f: {  	s19 =	sld [smem:$0x3FDB];
	_ =	sdelay $0x1  }
0xa0: {  	s20 =	simm.s32 $_scs_section_size  }
0xa1: {  	s7 =	simm.s32 $_size__tile_overlayer_lowered;
	s8 =	simm.s32 $_tile_overlayer_lowered  }
0xa2: {  	s23 =	simm.s32 $0x1BFF;
	s22 =	sshll.u32 s8, $0x1;
	s5 =	sadd.s32 s20, s19  }
0xa3: {  	s9 =	simm.s32 $0x0;
	s21 =	sshll.u32 s7, $0x1;
	s7 =	sadd.s32 s22, s5  }
0xa4: {  	[timem:s9], [sflag:s23] =	dma.local [hbm:s7], s21  }
0xa5: {  	_ =	swait.ge [sflag:s23], s21  }
0xa6: {  	s6 =	ssub.s32 $0x0, s21;
	[sflag:s23] =	ssyncset.done $0x0  }
0xa7: {  	[sflag:s23] =	ssyncadd.s32 s6;
	_ =	sdelay $0x1  }
0xa8: {  	s24 =	simm.s32 $0x1B8B  }
0xa9: {  	_ =	swait.ge [sflag:s24], $0x1  }
0xaa: {  	[sflag:s24] =	ssyncset.done $0x0  }
0xab: {  	s25 =	simm.s32 $0x1B8E;
	[sflag:s24] =	ssyncadd.s32 $0xFFFFFFFF  }
0xac: {  	s26 =	simm.s32 $execute0_lowered;
	[smem:$0x3FD2] =	sst s25  }
0xad: {  	s6 =	sshll.u32 s26, $0x1;
	_ =	strace $0x80000046;
	[dreg:$0x1] =	wrdreg $0xFFFFFFFF  }
0xae: {  	s28 =	simm.s32 $_size_execute0_lowered;
	s5 =	sadd.s32 s5, s6;
	[dreg:$0x0] =	wrdreg $0x0  }
0xaf: {  	s6 =	sshll.u32 s28, $0x1;
	[dreg:$0x2] =	wrdreg s5  }
0xb0: {  	[dreg:$0x3] =	wrdreg s6  }
0xb1: {  	[dreg:$0x4] =	wrdreg $0xC0  }
0xb2: {  	_ =	task [dreg:s9], $0x5FFFF  }
0xb3: {  	[dreg:$0x1] =	wrdreg $0xFFFFFFFF  }
0xb4: {  	[dreg:$0x0] =	wrdreg $0x60  }
0xb5: {  	[dreg:$0x2] =	wrdreg s16  }
0xb6: {  	[dreg:$0x3] =	wrdreg s4  }
0xb7: {  	[dreg:$0x4] =	wrdreg s17  }
0xb8: {  	[dreg:$0x5] =	wrdreg $0x9  }
0xb9: {  	_ =	task.clear_ibuf [dreg:s9], $0x6FFFF;
	_ =	strace $0x90000046  }
0xba: {  	s29 =	simm.s32 $0x9;
	_ =	strace $0x80000048  }
0xbb: {  	_ =	swait.ge [sflag:s29], $0x1  }
0xbc: {  	[sflag:s29] =	ssyncadd.s32 $0xFFFFFFFF  }
0xbd: {  	_ =	strace $0x90000048  }
0xbe: {  	_ =	sfence  }
0xbf: {  	s30 =	sld [smem:$0x0];
	_ =	sdelay $0x2  }
0xc0: {  	s31 =	sshll.u32 s1, $0xD;
	s1 =	sshrl.u32 s1, $0x2  }
0xc1: {  	s3 =	sand.u32 $0x4000, s31;
	s1 =	sadd.s32 s1, s30  }
0xc2: {  	s0 =	sor.u32 s3, s0;
	s1 =	sshll.u32 s1, $0x11  }
0xc3: {  	s0 =	sor.u32 s1, s0  }
0xc4: {  	s0 =	sadd.s32 $0x8F2B, s0  }
0xc5: {  	[sflag:s0] =	ssyncadd.remote.s32 $0x1  }
0xc6: {  	_ =	sfence.sel $0xFFFF  }
0xc7: {  	[dreg:$0x0] =	wrdreg $0xFFFFFFFF;
	(pc) =	sbr.abs _section_cstart, $3  }
0xc8: {  	[dreg:$0x1] =	wrdreg $0xFFFFFFFF  }
0xc9: {  	_ =	task.clear_ibuf [dreg:s9], $0x2FFFF;
	_ =	strace $0x9FFFFFFF  }
0xca: {  	(tm) =	ssettm $0x7FFFFFFF  }
0xcb: {  	_ =	shalt  }
tec
execute0_lowered:
.L_overlay_start_1:
0x0: {  	(tag) =	ssettag $0x1  }
0x1: {  	s1 =	rddreg [dreg:$0x0];
	s0 =	srdreg.scid  }
0x2: {  	s2 =	stileid.u32;
	s4 =	rddreg [dreg:$0x2]  }
0x3: {  	s6 =	simm.s32 $0x0;
	s20 =	simm.s32 $0x1;
	s22 =	simm.s32 $0x11080  }
0x4: {  	s23 =	simm.s32 $0x2;
	s24 =	simm.s32 $0x15080;
	s28 =	simm.s32 $0x4  }
0x5: {  	s29 =	simm.s32 $0x6;
	s31 =	simm.s32 $0x0;
	s0 =	sand.u32 $0x1, s0  }
0x6: {  	s2 =	sshll.u32 s2, $0xA;
	s3 =	sshll.u32 s0, $0x9;
	s0 =	ssub.s32 $0x2, s0  }
0x7: {  	[smem:$0x7FF] =	sst s6;
	s5 =	sor.u32 s3, s2;
	s25 =	sshrl.u32 s0, $0x1  }
0x8: {  	_ =	strace $0x80000047;
	s2 =	sshll.u32 s5, $0x8;
	s0 =	ssub.s32 s0, s25  }
0x9: {  	s11 =	smov.u32 s5;
	s10 =	sshrl.u32 s5, $0x3;
	s7 =	sadd.s32 s1, s2  }
0xa: {  	s25 =	simm.s32 $0x3;
	s2 =	sadd.s32 s4, s2;
	[dreg:$0x4] =	wrdreg s7  }
0xb: {  	s12 =	sor.u32 $0x4, s10;
	s0 =	smax.u32 s0, $0x1;
	[dreg:$0x7] =	wrdreg s2  }
0xc: {  	s13 =	sor.u32 $0x5, s10;
	s26 =	sadd.s32 $0x800, s7;
	[dreg:$0x8] =	wrdreg s0  }
0xd: {  	s14 =	sor.u32 $0x6, s10;
	s30 =	sadd.s32 $0x1000, s7;
	[dreg:$0x5] =	wrdreg s26  }
0xe: {  	v0 =	vlaneseq.u32;
	s2 =	simm.s32 $0x0;
	[dreg:$0x6] =	wrdreg s30;
	s26 =	simm.s32 $0x5  }
.LBB2_1:
0xf: {  	[dreg:$0x9] =	wrdreg s2  }
0x10: {  	s0 =	simm.s32 $0x880;
	s21 =	rddreg [dreg:$0x1];
	s30 =	simm.s32 $0x7  }
0x11: {  	[tilespmem:s0], [sflag:$0x7] =	stream.linear.gather [hbm4b:s21+s6], $0x800, $0x38;
	[tilespmem:$0x19080] =	vst v63  }
0x12: {  	_ =	swait.ge [sflag:s30], $0x800  }
0x13: {  	[sflag:s30] =	ssyncset.done $0x0  }
0x14: {  	[sflag:s30] =	ssyncadd.s32 $0xFFFFF800  }
0x15: {  	s2 =	simm.s32 $0x10;
	s3 =	simm.s32 $0x0;
	v1 =	vld [tilespmem:s0+$0x0]  }
.LBB2_2:
0x16: {  	p0 =	sne.s32 s2, $0x7F0;
	_ =	sdelay $0x3  }
.Ltmp0:
0x17: {  	(pc) =	sbr.rel @p0 .LBB2_2-.Ltmp0, $4  }
0x18: {  	_ = 	snop  }
0x19: {  	v2 =	vor.u32 s3, v0;
	s3 =	smov.u32 s2  }
0x1a: {  	s0 =	sadd.s32 $0x10, s0;
	[tilespmem:v1+s6+$0x0] =	vst.idx.msk $0xffff, v2  }
0x1b: {  	s2 =	sadd.s32 $0x10, s2;
	v1 =	vld [tilespmem:s0+$0x0]  }
0x1c: {  	_ =	sdelay $0x6  }
0x1d: {  	v2 =	vor.u32 s3, v0  }
0x1e: {  	s0 =	rddreg [dreg:$0x4];
	s2 =	simm.s32 $0x1080;
	[tilespmem:v1+s6+$0x0] =	vst.idx.msk $0xffff, v2  }
0x1f: {  	[tilespmem:s2], [sflag:$0x1] =	stream.linear.gather [hbm4b:s0+s31], $0x4000, $0x38;
	[tilespmem:$0x19080] =	vst v63  }
0x20: {  	s18 =	rddreg [dreg:$0x5];
	s19 =	simm.s32 $0x5080  }
0x21: {  	[tilespmem:s19], [sflag:$0x2] =	stream.linear.gather [hbm4b:s18+s31], $0x4000, $0x38;
	[tilespmem:$0x19080] =	vst v63  }
0x22: {  	s21 =	rddreg [dreg:$0x6];
	s30 =	simm.s32 $0x9080;
	s2 =	simm.s32 $0x0  }
0x23: {  	[tilespmem:s30], [sflag:$0x3] =	stream.linear.gather [hbm4b:s21+s31], $0x4000, $0x38;
	[tilespmem:$0x19080] =	vst v63  }
.LBB2_4:
0x24: {  	s3 =	sshll.u32 s2, $0x2  }
0x25: {  	s0 =	sadd.s32 s3, s10  }
0x26: {  	_ =	swait.ge [sflag:s20], $0x4000;
	s0 =	sshll.u32 s0, $0xB  }
0x27: {  	s5 =	simm.s32 $0xD080;
	[sflag:s20] =	ssyncset.done $0x0;
	s0 =	sadd.s32 $0x1800, s0  }
0x28: {  	p0 =	seq.s32 s2, $0x0;
	[sflag:s20] =	ssyncadd.s32 $0xFFFFC000;
	s7 =	sadd.s32 s1, s0  }
0x29: {  	[tilespmem:s5], [sflag:$0x4] =	stream.linear.gather [hbm4b:s7+s6], $0x4000, $0x38;
	[tilespmem:$0x19080] =	vst v63  }
0x2a: {  	s7 =	simm.s32 @!p0 $0x5  }
0x2b: {  	_ =	swait.ge @!p0 [sflag:s7], $0x4000  }
0x2c: {  	[sflag:s7] =	ssyncset.done @!p0 $0x0  }
0x2d: {  	[sflag:s7] =	ssyncadd.s32 @!p0 $0xFFFFC000  }
0x2e: {  	v1 =	vld [tilespmem:$0x0];
	_ =	sdelay $0x2  }
0x2f: {  	s19 =	simm.s32 $0x20;
	s15 =	sand.u32 $0x60, s31;
	s16 =	sand.u32 $0x3C00, s31  }
0x30: {  	s21 =	sor.u32 s15, s16;
	v5 =	vld [tilespmem:s19+$0xFFFFFFF0]  }
0x31: {  	v6 =	vld [tilespmem:s21+$0x1100];
	v4 =	vshll.u32 v1, $0x3  }
0x32: {  	v8 =	vld [tilespmem:s21+$0x1180];
	v1 =	vand.u32 $0x7F, v1;
	v4 =	vand.u32 $0xFFFFFC00, v4  }
0x33: {  	s18 =	sand.u32 $0x3, s31;
	v1 =	vor.u32 v1, v4;
	v4 =	vld [tilespmem:s21+$0x1080]  }
0x34: {  	s7 =	sshll.u32 s18, $0x5;
	v10 =	vld [tilespmem:s21+$0x1200];
	v7 =	vor.u32 $0x80, v1  }
0x35: {  	s7 =	sadd.s32 $0x0, s7;
	v12 =	vld [tilespmem:s21+$0x1300];
	v9 =	vor.u32 $0x100, v1  }
0x36: {  	v14 =	vld [tilespmem:s21+$0x1280];
	s8 =	sor.u32 $0x380, s7;
	v11 =	vor.u32 $0x180, v1  }
0x37: {  	s9 =	sor.u32 $0x300, s7;
	v2 =	vld [tilespmem:s8+$0x1080];
	v13 =	vor.u32 $0x200, v1  }
0x38: {  	v3 =	vld [tilespmem:s9+$0x1080];
	v15 =	vor.u32 $0x280, v1;
	[tilespmem:v1+s22+$0x0] =	vst.idx.msk $0xffff, v4  }
0x39: {  	v4 =	vor.u32 $0x300, v1;
	[tilespmem:v7+s22+$0x0] =	vst.idx.msk $0xffff, v6  }
0x3a: {  	v1 =	vor.u32 $0x380, v1;
	[tilespmem:v9+s22+$0x0] =	vst.idx.msk $0xffff, v8  }
0x3b: {  	[tilespmem:v11+s22+$0x0] =	vst.idx.msk $0xffff, v10  }
0x3c: {  	[tilespmem:v13+s22+$0x0] =	vst.idx.msk $0xffff, v14  }
0x3d: {  	[tilespmem:v15+s22+$0x0] =	vst.idx.msk $0xffff, v12  }
0x3e: {  	[tilespmem:v4+s22+$0x0] =	vst.idx.msk $0xffff, v3  }
0x3f: {  	s7 =	sadd.s32 $0x10, s7;
	[tilespmem:v1+s22+$0x0] =	vst.idx.msk $0xffff, v2  }
0x40: {  	s30 =	sor.u32 $0x300, s7;
	v2 =	vld [tilespmem:s21+$0x1210]  }
0x41: {  	v3 =	vshll.u32 v5, $0x3;
	v1 =	vld [tilespmem:s30+$0x1080]  }
0x42: {  	v5 =	vand.u32 $0x7F, v5;
	v3 =	vand.u32 $0xFFFFFC00, v3;
	v4 =	vld [tilespmem:s21+$0x1190]  }
0x43: {  	v14 =	vor.u32 v5, v3;
	v12 =	vld [tilespmem:s21+$0x1090]  }
0x44: {  	v11 =	vld [tilespmem:s21+$0x1110];
	v15 =	vor.u32 $0x80, v14  }
0x45: {  	v3 =	vld [tilespmem:s19+$0x0];
	v10 =	vor.u32 $0x100, v14  }
0x46: {  	v6 =	vld [tilespmem:s21+$0x1290];
	v8 =	vor.u32 $0x180, v14  }
0x47: {  	s7 =	sor.u32 $0x380, s7;
	v7 =	vld [tilespmem:s21+$0x1310];
	v9 =	vor.u32 $0x200, v14  }
0x48: {  	s17 =	simm.s32 $0x0;
	s15 =	simm.s32 $0x0;
	v5 =	vld [tilespmem:s7+$0x1080];
	[tilespmem:v14+s22+$0x0] =	vst.idx.msk $0xffff, v12;
	v12 =	vor.u32 $0x280, v14  }
0x49: {  	s18 =	simm.s32 $0x40;
	s8 =	simm.s32 $0x20;
	s9 =	simm.s32 $0x0;
	v13 =	vor.u32 $0x300, v14;
	[tilespmem:v15+s22+$0x0] =	vst.idx.msk $0xffff, v11;
	v11 =	vor.u32 $0x380, v14  }
.LBB2_5:
0x4a: {  	s17 =	sadd.s32 $0x2, s17;
	[tilespmem:v10+s22+$0x0] =	vst.idx.msk $0xffff, v4;
	s9 =	sadd.s32 $0x100, s9;
	s15 =	sadd.s32 $0x1, s15  }
0x4b: {  	p0 =	slt.u32 s17, $0x7E;
	[tilespmem:v8+s22+$0x0] =	vst.idx.msk $0xffff, v2  }
0x4c: {  	s7 =	sand.u32 $0x3, s15;
	[tilespmem:v9+s22+$0x0] =	vst.idx.msk $0xffff, v6  }
0x4d: {  	s7 =	sshll.u32 s7, $0x5;
	[tilespmem:v12+s22+$0x0] =	vst.idx.msk $0xffff, v7  }
0x4e: {  	s16 =	sadd.s32 s7, s9;
	[tilespmem:v13+s22+$0x0] =	vst.idx.msk $0xffff, v1  }
0x4f: {  	s19 =	sor.u32 $0x380, s16;
	s7 =	sadd.s32 $0x10, s16;
	[tilespmem:v11+s22+$0x0] =	vst.idx.msk $0xffff, v5  }
0x50: {  	s16 =	sor.u32 $0x300, s16;
	v1 =	vld [tilespmem:s19+$0x1080]  }
0x51: {  	v4 =	vshll.u32 v3, $0x3;
	s30 =	sand.u32 $0x3C00, s9;
	s19 =	sand.u32 $0x60, s8;
	v2 =	vld [tilespmem:s16+$0x1080]  }
0x52: {  	v3 =	vand.u32 $0x7F, v3;
	v4 =	vand.u32 $0xFFFFFC00, v4;
	s16 =	sor.u32 s19, s30;
	v5 =	vld [tilespmem:s18+$0xFFFFFFF0]  }
0x53: {  	v3 =	vor.u32 v3, v4;
	v6 =	vld [tilespmem:s16+$0x1100]  }
0x54: {  	v7 =	vor.u32 $0x80, v3;
	v4 =	vld [tilespmem:s16+$0x1080]  }
0x55: {  	v9 =	vor.u32 $0x100, v3;
	v8 =	vld [tilespmem:s16+$0x1180]  }
0x56: {  	v11 =	vor.u32 $0x180, v3;
	v10 =	vld [tilespmem:s16+$0x1200]  }
0x57: {  	v13 =	vor.u32 $0x200, v3;
	v12 =	vld [tilespmem:s16+$0x1300];
	v14 =	vshll.u32 v5, $0x3  }
0x58: {  	v16 =	vor.u32 $0x280, v3;
	v15 =	vld [tilespmem:s16+$0x1280];
	v14 =	vand.u32 $0xFFFFFC00, v14  }
0x59: {  	[tilespmem:v3+s22+$0x0] =	vst.idx.msk $0xffff, v4;
	v4 =	vor.u32 $0x300, v3  }
0x5a: {  	v3 =	vor.u32 $0x380, v3;
	[tilespmem:v7+s22+$0x0] =	vst.idx.msk $0xffff, v6  }
0x5b: {  	[tilespmem:v9+s22+$0x0] =	vst.idx.msk $0xffff, v8  }
0x5c: {  	[tilespmem:v11+s22+$0x0] =	vst.idx.msk $0xffff, v10  }
0x5d: {  	[tilespmem:v13+s22+$0x0] =	vst.idx.msk $0xffff, v15  }
0x5e: {  	[tilespmem:v16+s22+$0x0] =	vst.idx.msk $0xffff, v12  }
0x5f: {  	[tilespmem:v4+s22+$0x0] =	vst.idx.msk $0xffff, v2  }
0x60: {  	[tilespmem:v3+s22+$0x0] =	vst.idx.msk $0xffff, v1  }
0x61: {  	s19 =	sor.u32 $0x300, s7;
	v2 =	vld [tilespmem:s16+$0x1210]  }
0x62: {  	v1 =	vld [tilespmem:s19+$0x1080]  }
0x63: {  	v3 =	vand.u32 $0x7F, v5;
	v4 =	vld [tilespmem:s16+$0x1190]  }
0x64: {  	v14 =	vor.u32 v3, v14;
	v11 =	vld [tilespmem:s16+$0x1110]  }
0x65: {  	v15 =	vor.u32 $0x80, v14;
	v13 =	vld [tilespmem:s16+$0x1090]  }
0x66: {  	v10 =	vor.u32 $0x100, v14;
	v3 =	vld [tilespmem:s18+$0x0]  }
.Ltmp1:
0x67: {  	v8 =	vor.u32 $0x180, v14;
	v6 =	vld [tilespmem:s16+$0x1290];
	(pc) =	sbr.rel @p0 .LBB2_5-.Ltmp1, $4  }
0x68: {  	s7 =	sor.u32 $0x380, s7;
	v9 =	vor.u32 $0x200, v14;
	v7 =	vld [tilespmem:s16+$0x1310]  }
0x69: {  	v12 =	vor.u32 $0x280, v14;
	v5 =	vld [tilespmem:s7+$0x1080]  }
0x6a: {  	[tilespmem:v14+s22+$0x0] =	vst.idx.msk $0xffff, v13;
	v13 =	vor.u32 $0x300, v14  }
0x6b: {  	s8 =	sadd.s32 $0x20, s8;
	s18 =	sadd.s32 $0x20, s18;
	[tilespmem:v15+s22+$0x0] =	vst.idx.msk $0xffff, v11;
	v11 =	vor.u32 $0x380, v14  }
0x6c: {  	_ =	sdelay $0x3  }
0x6d: {  	[tilespmem:v10+s22+$0x0] =	vst.idx.msk $0xffff, v4  }
0x6e: {  	[tilespmem:v8+s22+$0x0] =	vst.idx.msk $0xffff, v2  }
0x6f: {  	[tilespmem:v9+s22+$0x0] =	vst.idx.msk $0xffff, v6  }
0x70: {  	[tilespmem:v12+s22+$0x0] =	vst.idx.msk $0xffff, v7  }
0x71: {  	s7 =	sshll.u32 s2, $0xD;
	s5 =	rddreg [dreg:$0x7];
	[tilespmem:v13+s22+$0x0] =	vst.idx.msk $0xffff, v1  }
0x72: {  	p0 =	seq.s32 s2, $0xF;
	s7 =	sadd.s32 s7, s5;
	[tilespmem:v11+s22+$0x0] =	vst.idx.msk $0xffff, v5  }
0x73: {  	[hbm4b:s7+s6] =	stream.linear.scatter [tilespmem:s22], [sflag:$0x5], $0x4000, $0x38;
	[tilespmem:$0x19080] =	vst v63  }
0x74: {  	p1 =	seq.s32 @!p0 s2, $0x0;
	s7 =	sadd.s32 @!p0 s12, s3  }
0x75: {  	s8 =	simm.s32 @!p0 $0x0;
	_ =	swait.ge [sflag:s23], $0x4000;
	s7 =	sshll.u32 @!p0 s7, $0xB  }
0x76: {  	s9 =	simm.s32 @!p0 $0x1080;
	[sflag:s23] =	ssyncset.done $0x0;
	s7 =	sand.u32 @!p0 $0x1FFFE000, s7  }
0x77: {  	p1 =	por p0, !p1;
	[sflag:s23] =	ssyncadd.s32 $0xFFFFC000;
	s7 =	sadd.s32 @!p0 s1, s7  }
0x78: {  	[tilespmem:s9], [sflag:$0x1] =	stream.linear.gather @!p0 [hbm4b:s7+s8], $0x4000, $0x38;
	[tilespmem:$0x19080] =	vst v63  }
0x79: {  	_ =	swait.ge @p1 [sflag:s29], $0x4000  }
0x7a: {  	[sflag:s29] =	ssyncset.done @p1 $0x0  }
0x7b: {  	s18 =	simm.s32 $0x0;
	[sflag:s29] =	ssyncadd.s32 @p1 $0xFFFFC000  }
0x7c: {  	s21 =	sand.u32 $0x3, s18;
	v1 =	vld [tilespmem:$0x0]  }
0x7d: {  	s7 =	sshll.u32 s21, $0x5  }
0x7e: {  	s7 =	sadd.s32 $0x0, s7  }
0x7f: {  	s30 =	sor.u32 $0x380, s7  }
0x80: {  	s5 =	sor.u32 $0x300, s7;
	v2 =	vld [tilespmem:s30+$0x5080]  }
0x81: {  	s17 =	simm.s32 $0x20;
	s15 =	sand.u32 $0x60, s18;
	s16 =	sand.u32 $0x3C00, s18;
	v3 =	vld [tilespmem:s5+$0x5080];
	v4 =	vshll.u32 v1, $0x3  }
0x82: {  	s19 =	sor.u32 s15, s16;
	v5 =	vld [tilespmem:s17+$0xFFFFFFF0];
	v1 =	vand.u32 $0x7F, v1;
	v4 =	vand.u32 $0xFFFFFC00, v4  }
0x83: {  	v1 =	vor.u32 v1, v4;
	v4 =	vld [tilespmem:s19+$0x5080]  }
0x84: {  	v6 =	vld [tilespmem:s19+$0x5100];
	v7 =	vor.u32 $0x80, v1  }
0x85: {  	v8 =	vld [tilespmem:s19+$0x5180];
	v9 =	vor.u32 $0x100, v1  }
0x86: {  	v10 =	vld [tilespmem:s19+$0x5200];
	v11 =	vor.u32 $0x180, v1  }
0x87: {  	v14 =	vld [tilespmem:s19+$0x5280];
	v13 =	vor.u32 $0x200, v1  }
0x88: {  	v12 =	vld [tilespmem:s19+$0x5300];
	v15 =	vor.u32 $0x280, v1;
	[tilespmem:v1+s24+$0x0] =	vst.idx.msk $0xffff, v4  }
0x89: {  	v4 =	vor.u32 $0x300, v1;
	[tilespmem:v7+s24+$0x0] =	vst.idx.msk $0xffff, v6  }
0x8a: {  	v1 =	vor.u32 $0x380, v1;
	[tilespmem:v9+s24+$0x0] =	vst.idx.msk $0xffff, v8  }
0x8b: {  	[tilespmem:v11+s24+$0x0] =	vst.idx.msk $0xffff, v10  }
0x8c: {  	[tilespmem:v13+s24+$0x0] =	vst.idx.msk $0xffff, v14  }
0x8d: {  	[tilespmem:v15+s24+$0x0] =	vst.idx.msk $0xffff, v12  }
0x8e: {  	[tilespmem:v4+s24+$0x0] =	vst.idx.msk $0xffff, v3  }
0x8f: {  	s7 =	sadd.s32 $0x10, s7;
	[tilespmem:v1+s24+$0x0] =	vst.idx.msk $0xffff, v2  }
0x90: {  	s21 =	sor.u32 $0x300, s7;
	v2 =	vld [tilespmem:s19+$0x5210]  }
0x91: {  	v3 =	vshll.u32 v5, $0x3;
	v1 =	vld [tilespmem:s21+$0x5080]  }
0x92: {  	v5 =	vand.u32 $0x7F, v5;
	v3 =	vand.u32 $0xFFFFFC00, v3;
	v4 =	vld [tilespmem:s19+$0x5190]  }
0x93: {  	v14 =	vor.u32 v5, v3;
	v12 =	vld [tilespmem:s19+$0x5090]  }
0x94: {  	v10 =	vld [tilespmem:s19+$0x5110];
	v15 =	vor.u32 $0x80, v14  }
0x95: {  	v3 =	vld [tilespmem:s17+$0x0];
	v11 =	vor.u32 $0x100, v14  }
0x96: {  	v6 =	vld [tilespmem:s19+$0x5290];
	v8 =	vor.u32 $0x180, v14  }
0x97: {  	s7 =	sor.u32 $0x380, s7;
	s30 =	sshll.u32 s2, $0x5;
	v7 =	vld [tilespmem:s19+$0x5310];
	v9 =	vor.u32 $0x200, v14  }
0x98: {  	s15 =	simm.s32 $0x40;
	s8 =	simm.s32 $0x0;
	s17 =	sadd.s32 s30, s11;
	v5 =	vld [tilespmem:s7+$0x5080];
	[tilespmem:v14+s24+$0x0] =	vst.idx.msk $0xffff, v12;
	v12 =	vor.u32 $0x280, v14  }
0x99: {  	s9 =	simm.s32 $0x20;
	s7 =	simm.s32 $0x0;
	s19 =	sadd.s32 $0x8, s17;
	v13 =	vor.u32 $0x300, v14;
	[tilespmem:v15+s24+$0x0] =	vst.idx.msk $0xffff, v10;
	v10 =	vor.u32 $0x380, v14  }
.LBB2_7:
0x9a: {  	s8 =	sadd.s32 $0x2, s8;
	[tilespmem:v11+s24+$0x0] =	vst.idx.msk $0xffff, v4;
	s18 =	sadd.s32 $0x100, s18;
	s7 =	sadd.s32 $0x1, s7  }
0x9b: {  	p1 =	slt.u32 s8, $0x7E;
	[tilespmem:v8+s24+$0x0] =	vst.idx.msk $0xffff, v2  }
0x9c: {  	s16 =	sand.u32 $0x3, s7;
	[tilespmem:v9+s24+$0x0] =	vst.idx.msk $0xffff, v6  }
0x9d: {  	s16 =	sshll.u32 s16, $0x5;
	[tilespmem:v12+s24+$0x0] =	vst.idx.msk $0xffff, v7  }
0x9e: {  	s30 =	sadd.s32 s16, s18;
	[tilespmem:v13+s24+$0x0] =	vst.idx.msk $0xffff, v1  }
0x9f: {  	s21 =	sor.u32 $0x380, s30;
	s16 =	sadd.s32 $0x10, s30;
	[tilespmem:v10+s24+$0x0] =	vst.idx.msk $0xffff, v5  }
0xa0: {  	s30 =	sor.u32 $0x300, s30;
	v1 =	vld [tilespmem:s21+$0x5080]  }
0xa1: {  	v4 =	vshll.u32 v3, $0x3;
	s5 =	sand.u32 $0x3C00, s18;
	s21 =	sand.u32 $0x60, s9;
	v2 =	vld [tilespmem:s30+$0x5080]  }
0xa2: {  	v3 =	vand.u32 $0x7F, v3;
	v4 =	vand.u32 $0xFFFFFC00, v4;
	s5 =	sor.u32 s21, s5;
	v5 =	vld [tilespmem:s15+$0xFFFFFFF0]  }
0xa3: {  	v3 =	vor.u32 v3, v4;
	v6 =	vld [tilespmem:s5+$0x5100]  }
0xa4: {  	v7 =	vor.u32 $0x80, v3;
	v4 =	vld [tilespmem:s5+$0x5080]  }
0xa5: {  	v9 =	vor.u32 $0x100, v3;
	v8 =	vld [tilespmem:s5+$0x5180]  }
0xa6: {  	v11 =	vor.u32 $0x180, v3;
	v10 =	vld [tilespmem:s5+$0x5200]  }
0xa7: {  	v13 =	vor.u32 $0x200, v3;
	v12 =	vld [tilespmem:s5+$0x5300];
	v14 =	vshll.u32 v5, $0x3  }
0xa8: {  	v16 =	vor.u32 $0x280, v3;
	v15 =	vld [tilespmem:s5+$0x5280];
	v14 =	vand.u32 $0xFFFFFC00, v14  }
0xa9: {  	[tilespmem:v3+s24+$0x0] =	vst.idx.msk $0xffff, v4;
	v4 =	vor.u32 $0x300, v3  }
0xaa: {  	v3 =	vor.u32 $0x380, v3;
	[tilespmem:v7+s24+$0x0] =	vst.idx.msk $0xffff, v6  }
0xab: {  	[tilespmem:v9+s24+$0x0] =	vst.idx.msk $0xffff, v8  }
0xac: {  	[tilespmem:v11+s24+$0x0] =	vst.idx.msk $0xffff, v10  }
0xad: {  	[tilespmem:v13+s24+$0x0] =	vst.idx.msk $0xffff, v15  }
0xae: {  	[tilespmem:v16+s24+$0x0] =	vst.idx.msk $0xffff, v12  }
0xaf: {  	[tilespmem:v4+s24+$0x0] =	vst.idx.msk $0xffff, v2  }
0xb0: {  	[tilespmem:v3+s24+$0x0] =	vst.idx.msk $0xffff, v1  }
0xb1: {  	s21 =	sor.u32 $0x300, s16;
	v2 =	vld [tilespmem:s5+$0x5210]  }
0xb2: {  	v1 =	vld [tilespmem:s21+$0x5080]  }
0xb3: {  	v3 =	vand.u32 $0x7F, v5;
	v4 =	vld [tilespmem:s5+$0x5190]  }
0xb4: {  	v14 =	vor.u32 v3, v14;
	v10 =	vld [tilespmem:s5+$0x5110]  }
0xb5: {  	v15 =	vor.u32 $0x80, v14;
	v13 =	vld [tilespmem:s5+$0x5090]  }
0xb6: {  	v11 =	vor.u32 $0x100, v14;
	v3 =	vld [tilespmem:s15+$0x0]  }
.Ltmp2:
0xb7: {  	v8 =	vor.u32 $0x180, v14;
	v6 =	vld [tilespmem:s5+$0x5290];
	(pc) =	sbr.rel @p1 .LBB2_7-.Ltmp2, $4  }
0xb8: {  	v9 =	vor.u32 $0x200, v14;
	v7 =	vld [tilespmem:s5+$0x5310];
	s5 =	sor.u32 $0x380, s16  }
0xb9: {  	v12 =	vor.u32 $0x280, v14;
	v5 =	vld [tilespmem:s5+$0x5080]  }
0xba: {  	[tilespmem:v14+s24+$0x0] =	vst.idx.msk $0xffff, v13;
	v13 =	vor.u32 $0x300, v14  }
0xbb: {  	s9 =	sadd.s32 $0x20, s9;
	s15 =	sadd.s32 $0x20, s15;
	[tilespmem:v15+s24+$0x0] =	vst.idx.msk $0xffff, v10;
	v10 =	vor.u32 $0x380, v14  }
0xbc: {  	_ =	sdelay $0x3  }
0xbd: {  	[tilespmem:v11+s24+$0x0] =	vst.idx.msk $0xffff, v4  }
0xbe: {  	[tilespmem:v8+s24+$0x0] =	vst.idx.msk $0xffff, v2  }
0xbf: {  	[tilespmem:v9+s24+$0x0] =	vst.idx.msk $0xffff, v6  }
0xc0: {  	[tilespmem:v12+s24+$0x0] =	vst.idx.msk $0xffff, v7  }
0xc1: {  	s5 =	sshll.u32 s19, $0x8;
	[tilespmem:v13+s24+$0x0] =	vst.idx.msk $0xffff, v1  }
0xc2: {  	s5 =	sadd.s32 s4, s5;
	[tilespmem:v10+s24+$0x0] =	vst.idx.msk $0xffff, v5  }
0xc3: {  	[hbm4b:s5+s6] =	stream.linear.scatter [tilespmem:s24], [sflag:$0x6], $0x4000, $0x38;
	[tilespmem:$0x19080] =	vst v63  }
0xc4: {  	s5 =	sadd.s32 @!p0 s13, s3;
	_ =	swait.ge [sflag:s25], $0x4000  }
0xc5: {  	s7 =	simm.s32 @!p0 $0x0;
	s5 =	sshll.u32 @!p0 s5, $0xB;
	[sflag:s25] =	ssyncset.done $0x0  }
0xc6: {  	s8 =	simm.s32 @!p0 $0x5080;
	s5 =	sadd.s32 @!p0 s1, s5;
	[sflag:s25] =	ssyncadd.s32 $0xFFFFC000  }
0xc7: {  	[tilespmem:s8], [sflag:$0x2] =	stream.linear.gather @!p0 [hbm4b:s5+s7], $0x4000, $0x38;
	[tilespmem:$0x19080] =	vst v63  }
0xc8: {  	_ =	swait.ge [sflag:s26], $0x4000  }
0xc9: {  	[sflag:s26] =	ssyncset.done $0x0  }
0xca: {  	s18 =	simm.s32 $0x0;
	[sflag:s26] =	ssyncadd.s32 $0xFFFFC000  }
0xcb: {  	s9 =	sand.u32 $0x3, s18;
	v1 =	vld [tilespmem:$0x0]  }
0xcc: {  	s5 =	sshll.u32 s9, $0x5  }
0xcd: {  	s5 =	sadd.s32 $0x0, s5  }
0xce: {  	s15 =	sor.u32 $0x380, s5  }
0xcf: {  	s16 =	sor.u32 $0x300, s5;
	v2 =	vld [tilespmem:s15+$0x9080]  }
0xd0: {  	s19 =	simm.s32 $0x20;
	s9 =	sand.u32 $0x60, s18;
	s15 =	sand.u32 $0x3C00, s18;
	v3 =	vld [tilespmem:s16+$0x9080];
	v4 =	vshll.u32 v1, $0x3  }
0xd1: {  	v5 =	vld [tilespmem:s19+$0xFFFFFFF0];
	s21 =	sor.u32 s9, s15;
	v1 =	vand.u32 $0x7F, v1;
	v4 =	vand.u32 $0xFFFFFC00, v4  }
0xd2: {  	v1 =	vor.u32 v1, v4;
	v4 =	vld [tilespmem:s21+$0x9080]  }
0xd3: {  	v6 =	vld [tilespmem:s21+$0x9100];
	v7 =	vor.u32 $0x80, v1  }
0xd4: {  	v8 =	vld [tilespmem:s21+$0x9180];
	v9 =	vor.u32 $0x100, v1  }
0xd5: {  	v10 =	vld [tilespmem:s21+$0x9200];
	v11 =	vor.u32 $0x180, v1  }
0xd6: {  	v14 =	vld [tilespmem:s21+$0x9280];
	v13 =	vor.u32 $0x200, v1  }
0xd7: {  	v12 =	vld [tilespmem:s21+$0x9300];
	v15 =	vor.u32 $0x280, v1;
	[tilespmem:v1+s22+$0x0] =	vst.idx.msk $0xffff, v4  }
0xd8: {  	v4 =	vor.u32 $0x300, v1;
	[tilespmem:v7+s22+$0x0] =	vst.idx.msk $0xffff, v6  }
0xd9: {  	v1 =	vor.u32 $0x380, v1;
	[tilespmem:v9+s22+$0x0] =	vst.idx.msk $0xffff, v8  }
0xda: {  	[tilespmem:v11+s22+$0x0] =	vst.idx.msk $0xffff, v10  }
0xdb: {  	[tilespmem:v13+s22+$0x0] =	vst.idx.msk $0xffff, v14  }
0xdc: {  	[tilespmem:v15+s22+$0x0] =	vst.idx.msk $0xffff, v12  }
0xdd: {  	[tilespmem:v4+s22+$0x0] =	vst.idx.msk $0xffff, v3  }
0xde: {  	s5 =	sadd.s32 $0x10, s5;
	[tilespmem:v1+s22+$0x0] =	vst.idx.msk $0xffff, v2  }
0xdf: {  	s30 =	sor.u32 $0x300, s5;
	v2 =	vld [tilespmem:s21+$0x9210]  }
0xe0: {  	v3 =	vshll.u32 v5, $0x3;
	v1 =	vld [tilespmem:s30+$0x9080]  }
0xe1: {  	v5 =	vand.u32 $0x7F, v5;
	v3 =	vand.u32 $0xFFFFFC00, v3;
	v4 =	vld [tilespmem:s21+$0x9190]  }
0xe2: {  	v14 =	vor.u32 v5, v3;
	v12 =	vld [tilespmem:s21+$0x9090]  }
0xe3: {  	v10 =	vld [tilespmem:s21+$0x9110];
	v15 =	vor.u32 $0x80, v14  }
0xe4: {  	v3 =	vld [tilespmem:s19+$0x0];
	v11 =	vor.u32 $0x100, v14  }
0xe5: {  	v6 =	vld [tilespmem:s21+$0x9290];
	v8 =	vor.u32 $0x180, v14  }
0xe6: {  	s5 =	sor.u32 $0x380, s5;
	v7 =	vld [tilespmem:s21+$0x9310];
	v9 =	vor.u32 $0x200, v14  }
0xe7: {  	s17 =	sadd.s32 $0x10, s17;
	s8 =	simm.s32 $0x0;
	v5 =	vld [tilespmem:s5+$0x9080];
	[tilespmem:v14+s22+$0x0] =	vst.idx.msk $0xffff, v12;
	v12 =	vor.u32 $0x280, v14  }
0xe8: {  	s7 =	simm.s32 $0x0;
	s9 =	simm.s32 $0x20;
	s15 =	simm.s32 $0x40;
	v13 =	vor.u32 $0x300, v14;
	[tilespmem:v15+s22+$0x0] =	vst.idx.msk $0xffff, v10;
	v10 =	vor.u32 $0x380, v14  }
.LBB2_9:
0xe9: {  	s8 =	sadd.s32 $0x2, s8;
	[tilespmem:v11+s22+$0x0] =	vst.idx.msk $0xffff, v4;
	s18 =	sadd.s32 $0x100, s18;
	s7 =	sadd.s32 $0x1, s7  }
0xea: {  	p1 =	slt.u32 s8, $0x7E;
	[tilespmem:v8+s22+$0x0] =	vst.idx.msk $0xffff, v2  }
0xeb: {  	s5 =	sand.u32 $0x3, s7;
	[tilespmem:v9+s22+$0x0] =	vst.idx.msk $0xffff, v6  }
0xec: {  	s5 =	sshll.u32 s5, $0x5;
	[tilespmem:v12+s22+$0x0] =	vst.idx.msk $0xffff, v7  }
0xed: {  	s5 =	sadd.s32 s5, s18;
	[tilespmem:v13+s22+$0x0] =	vst.idx.msk $0xffff, v1  }
0xee: {  	s19 =	sor.u32 $0x380, s5;
	s16 =	sadd.s32 $0x10, s5;
	[tilespmem:v10+s22+$0x0] =	vst.idx.msk $0xffff, v5  }
0xef: {  	s5 =	sor.u32 $0x300, s5;
	v1 =	vld [tilespmem:s19+$0x9080]  }
0xf0: {  	v4 =	vshll.u32 v3, $0x3;
	s21 =	sand.u32 $0x3C00, s18;
	s19 =	sand.u32 $0x60, s9;
	v2 =	vld [tilespmem:s5+$0x9080]  }
0xf1: {  	v3 =	vand.u32 $0x7F, v3;
	v4 =	vand.u32 $0xFFFFFC00, v4;
	s5 =	sor.u32 s19, s21;
	v5 =	vld [tilespmem:s15+$0xFFFFFFF0]  }
0xf2: {  	v3 =	vor.u32 v3, v4;
	v6 =	vld [tilespmem:s5+$0x9100]  }
0xf3: {  	v7 =	vor.u32 $0x80, v3;
	v4 =	vld [tilespmem:s5+$0x9080]  }
0xf4: {  	v9 =	vor.u32 $0x100, v3;
	v8 =	vld [tilespmem:s5+$0x9180]  }
0xf5: {  	v11 =	vor.u32 $0x180, v3;
	v10 =	vld [tilespmem:s5+$0x9200]  }
0xf6: {  	v13 =	vor.u32 $0x200, v3;
	v12 =	vld [tilespmem:s5+$0x9300];
	v14 =	vshll.u32 v5, $0x3  }
0xf7: {  	v16 =	vor.u32 $0x280, v3;
	v15 =	vld [tilespmem:s5+$0x9280];
	v14 =	vand.u32 $0xFFFFFC00, v14  }
0xf8: {  	[tilespmem:v3+s22+$0x0] =	vst.idx.msk $0xffff, v4;
	v4 =	vor.u32 $0x300, v3  }
0xf9: {  	v3 =	vor.u32 $0x380, v3;
	[tilespmem:v7+s22+$0x0] =	vst.idx.msk $0xffff, v6  }
0xfa: {  	[tilespmem:v9+s22+$0x0] =	vst.idx.msk $0xffff, v8  }
0xfb: {  	[tilespmem:v11+s22+$0x0] =	vst.idx.msk $0xffff, v10  }
0xfc: {  	[tilespmem:v13+s22+$0x0] =	vst.idx.msk $0xffff, v15  }
0xfd: {  	[tilespmem:v16+s22+$0x0] =	vst.idx.msk $0xffff, v12  }
0xfe: {  	[tilespmem:v4+s22+$0x0] =	vst.idx.msk $0xffff, v2  }
0xff: {  	[tilespmem:v3+s22+$0x0] =	vst.idx.msk $0xffff, v1  }
0x100: {  	s19 =	sor.u32 $0x300, s16;
	v2 =	vld [tilespmem:s5+$0x9210]  }
0x101: {  	v1 =	vld [tilespmem:s19+$0x9080]  }
0x102: {  	v3 =	vand.u32 $0x7F, v5;
	v4 =	vld [tilespmem:s5+$0x9190]  }
0x103: {  	v14 =	vor.u32 v3, v14;
	v10 =	vld [tilespmem:s5+$0x9110]  }
0x104: {  	v15 =	vor.u32 $0x80, v14;
	v13 =	vld [tilespmem:s5+$0x9090]  }
0x105: {  	v11 =	vor.u32 $0x100, v14;
	v3 =	vld [tilespmem:s15+$0x0]  }
.Ltmp3:
0x106: {  	v8 =	vor.u32 $0x180, v14;
	v6 =	vld [tilespmem:s5+$0x9290];
	(pc) =	sbr.rel @p1 .LBB2_9-.Ltmp3, $4  }
0x107: {  	v9 =	vor.u32 $0x200, v14;
	v7 =	vld [tilespmem:s5+$0x9310];
	s5 =	sor.u32 $0x380, s16  }
0x108: {  	v12 =	vor.u32 $0x280, v14;
	v5 =	vld [tilespmem:s5+$0x9080]  }
0x109: {  	[tilespmem:v14+s22+$0x0] =	vst.idx.msk $0xffff, v13;
	v13 =	vor.u32 $0x300, v14  }
0x10a: {  	s9 =	sadd.s32 $0x20, s9;
	s15 =	sadd.s32 $0x20, s15;
	[tilespmem:v15+s22+$0x0] =	vst.idx.msk $0xffff, v10;
	v10 =	vor.u32 $0x380, v14  }
0x10b: {  	_ =	sdelay $0x3  }
0x10c: {  	[tilespmem:v11+s22+$0x0] =	vst.idx.msk $0xffff, v4  }
0x10d: {  	[tilespmem:v8+s22+$0x0] =	vst.idx.msk $0xffff, v2  }
0x10e: {  	[tilespmem:v9+s22+$0x0] =	vst.idx.msk $0xffff, v6  }
0x10f: {  	[tilespmem:v12+s22+$0x0] =	vst.idx.msk $0xffff, v7  }
0x110: {  	s5 =	sshll.u32 s17, $0x8;
	[tilespmem:v13+s22+$0x0] =	vst.idx.msk $0xffff, v1  }
0x111: {  	s3 =	sadd.s32 @!p0 s14, s3;
	s5 =	sadd.s32 s4, s5;
	[tilespmem:v10+s22+$0x0] =	vst.idx.msk $0xffff, v5  }
0x112: {  	[hbm4b:s5+s6] =	stream.linear.scatter [tilespmem:s22], [sflag:$0x5], $0x4000, $0x38;
	[tilespmem:$0x19080] =	vst v63  }
0x113: {  	s3 =	sshll.u32 @!p0 s3, $0xB;
	_ =	swait.ge [sflag:s28], $0x4000  }
0x114: {  	s7 =	simm.s32 @!p0 $0x9080;
	s3 =	sand.u32 @!p0 $0x1FFFF000, s3;
	[sflag:s28] =	ssyncset.done $0x0  }
0x115: {  	s3 =	sadd.s32 @!p0 s1, s3;
	s5 =	simm.s32 @!p0 $0x0;
	[sflag:s28] =	ssyncadd.s32 $0xFFFFC000  }
0x116: {  	[tilespmem:s7], [sflag:$0x3] =	stream.linear.gather @!p0 [hbm4b:s3+s5], $0x4000, $0x38;
	[tilespmem:$0x19080] =	vst v63  }
0x117: {  	_ =	swait.ge [sflag:s29], $0x4000  }
0x118: {  	[sflag:s29] =	ssyncset.done $0x0  }
0x119: {  	[sflag:s29] =	ssyncadd.s32 $0xFFFFC000  }
0x11a: {  	v1 =	vld [tilespmem:$0x0];
	_ =	sdelay $0x1  }
0x11b: {  	s3 =	simm.s32 $0x0  }
0x11c: {  	s19 =	simm.s32 $0x20;
	s9 =	sand.u32 $0x60, s3;
	s15 =	sand.u32 $0x3C00, s3  }
0x11d: {  	s21 =	sor.u32 s9, s15;
	v5 =	vld [tilespmem:s19+$0xFFFFFFF0]  }
0x11e: {  	v6 =	vld [tilespmem:s21+$0xD100];
	v4 =	vshll.u32 v1, $0x3  }
0x11f: {  	v8 =	vld [tilespmem:s21+$0xD180];
	v1 =	vand.u32 $0x7F, v1;
	v4 =	vand.u32 $0xFFFFFC00, v4  }
0x120: {  	s17 =	sand.u32 $0x3, s3;
	v1 =	vor.u32 v1, v4;
	v4 =	vld [tilespmem:s21+$0xD080]  }
0x121: {  	s5 =	sshll.u32 s17, $0x5;
	v10 =	vld [tilespmem:s21+$0xD200];
	v7 =	vor.u32 $0x80, v1  }
0x122: {  	s5 =	sadd.s32 $0x0, s5;
	v12 =	vld [tilespmem:s21+$0xD300];
	v9 =	vor.u32 $0x100, v1  }
0x123: {  	s18 =	sor.u32 $0x380, s5;
	v14 =	vld [tilespmem:s21+$0xD280];
	v11 =	vor.u32 $0x180, v1  }
0x124: {  	s8 =	sor.u32 $0x300, s5;
	v2 =	vld [tilespmem:s18+$0xD080];
	v13 =	vor.u32 $0x200, v1  }
0x125: {  	v3 =	vld [tilespmem:s8+$0xD080];
	v15 =	vor.u32 $0x280, v1;
	[tilespmem:v1+s24+$0x0] =	vst.idx.msk $0xffff, v4  }
0x126: {  	v4 =	vor.u32 $0x300, v1;
	[tilespmem:v7+s24+$0x0] =	vst.idx.msk $0xffff, v6  }
0x127: {  	v1 =	vor.u32 $0x380, v1;
	[tilespmem:v9+s24+$0x0] =	vst.idx.msk $0xffff, v8  }
0x128: {  	[tilespmem:v11+s24+$0x0] =	vst.idx.msk $0xffff, v10  }
0x129: {  	[tilespmem:v13+s24+$0x0] =	vst.idx.msk $0xffff, v14  }
0x12a: {  	[tilespmem:v15+s24+$0x0] =	vst.idx.msk $0xffff, v12  }
0x12b: {  	[tilespmem:v4+s24+$0x0] =	vst.idx.msk $0xffff, v3  }
0x12c: {  	s5 =	sadd.s32 $0x10, s5;
	[tilespmem:v1+s24+$0x0] =	vst.idx.msk $0xffff, v2  }
0x12d: {  	s30 =	sor.u32 $0x300, s5;
	v2 =	vld [tilespmem:s21+$0xD210]  }
0x12e: {  	v3 =	vshll.u32 v5, $0x3;
	v1 =	vld [tilespmem:s30+$0xD080]  }
0x12f: {  	v5 =	vand.u32 $0x7F, v5;
	v3 =	vand.u32 $0xFFFFFC00, v3;
	v4 =	vld [tilespmem:s21+$0xD190]  }
0x130: {  	v14 =	vor.u32 v5, v3;
	v11 =	vld [tilespmem:s21+$0xD090]  }
0x131: {  	v13 =	vld [tilespmem:s21+$0xD110];
	v15 =	vor.u32 $0x80, v14  }
0x132: {  	v3 =	vld [tilespmem:s19+$0x0];
	v10 =	vor.u32 $0x100, v14  }
0x133: {  	v6 =	vld [tilespmem:s21+$0xD290];
	v8 =	vor.u32 $0x180, v14  }
0x134: {  	s5 =	sor.u32 $0x380, s5;
	v7 =	vld [tilespmem:s21+$0xD310];
	v9 =	vor.u32 $0x200, v14  }
0x135: {  	s7 =	simm.s32 $0x0;
	v5 =	vld [tilespmem:s5+$0xD080];
	[tilespmem:v14+s24+$0x0] =	vst.idx.msk $0xffff, v11;
	v11 =	vor.u32 $0x280, v14  }
0x136: {  	s9 =	simm.s32 $0x20;
	s15 =	simm.s32 $0x40;
	s8 =	simm.s32 $0x0;
	v12 =	vor.u32 $0x300, v14;
	[tilespmem:v15+s24+$0x0] =	vst.idx.msk $0xffff, v13;
	v13 =	vor.u32 $0x380, v14  }
.LBB2_11:
0x137: {  	s8 =	sadd.s32 $0x2, s8;
	[tilespmem:v10+s24+$0x0] =	vst.idx.msk $0xffff, v4;
	s3 =	sadd.s32 $0x100, s3;
	s7 =	sadd.s32 $0x1, s7  }
0x138: {  	p0 =	slt.u32 s8, $0x7E;
	[tilespmem:v8+s24+$0x0] =	vst.idx.msk $0xffff, v2  }
0x139: {  	s5 =	sand.u32 $0x3, s7;
	[tilespmem:v9+s24+$0x0] =	vst.idx.msk $0xffff, v6  }
0x13a: {  	s5 =	sshll.u32 s5, $0x5;
	[tilespmem:v11+s24+$0x0] =	vst.idx.msk $0xffff, v7  }
0x13b: {  	s5 =	sadd.s32 s5, s3;
	[tilespmem:v12+s24+$0x0] =	vst.idx.msk $0xffff, v1  }
0x13c: {  	s17 =	sor.u32 $0x380, s5;
	s16 =	sadd.s32 $0x10, s5;
	[tilespmem:v13+s24+$0x0] =	vst.idx.msk $0xffff, v5  }
0x13d: {  	s5 =	sor.u32 $0x300, s5;
	v1 =	vld [tilespmem:s17+$0xD080]  }
0x13e: {  	v4 =	vshll.u32 v3, $0x3;
	s18 =	sand.u32 $0x3C00, s3;
	s17 =	sand.u32 $0x60, s9;
	v2 =	vld [tilespmem:s5+$0xD080]  }
0x13f: {  	v3 =	vand.u32 $0x7F, v3;
	v4 =	vand.u32 $0xFFFFFC00, v4;
	s5 =	sor.u32 s17, s18;
	v5 =	vld [tilespmem:s15+$0xFFFFFFF0]  }
0x140: {  	v3 =	vor.u32 v3, v4;
	v6 =	vld [tilespmem:s5+$0xD100]  }
0x141: {  	v7 =	vor.u32 $0x80, v3;
	v4 =	vld [tilespmem:s5+$0xD080]  }
0x142: {  	v9 =	vor.u32 $0x100, v3;
	v8 =	vld [tilespmem:s5+$0xD180]  }
0x143: {  	v11 =	vor.u32 $0x180, v3;
	v10 =	vld [tilespmem:s5+$0xD200]  }
0x144: {  	v13 =	vor.u32 $0x200, v3;
	v12 =	vld [tilespmem:s5+$0xD300];
	v14 =	vshll.u32 v5, $0x3  }
0x145: {  	v16 =	vor.u32 $0x280, v3;
	v15 =	vld [tilespmem:s5+$0xD280];
	v14 =	vand.u32 $0xFFFFFC00, v14  }
0x146: {  	[tilespmem:v3+s24+$0x0] =	vst.idx.msk $0xffff, v4;
	v4 =	vor.u32 $0x300, v3  }
0x147: {  	v3 =	vor.u32 $0x380, v3;
	[tilespmem:v7+s24+$0x0] =	vst.idx.msk $0xffff, v6  }
0x148: {  	[tilespmem:v9+s24+$0x0] =	vst.idx.msk $0xffff, v8  }
0x149: {  	[tilespmem:v11+s24+$0x0] =	vst.idx.msk $0xffff, v10  }
0x14a: {  	[tilespmem:v13+s24+$0x0] =	vst.idx.msk $0xffff, v15  }
0x14b: {  	[tilespmem:v16+s24+$0x0] =	vst.idx.msk $0xffff, v12  }
0x14c: {  	[tilespmem:v4+s24+$0x0] =	vst.idx.msk $0xffff, v2  }
0x14d: {  	[tilespmem:v3+s24+$0x0] =	vst.idx.msk $0xffff, v1  }
0x14e: {  	s17 =	sor.u32 $0x300, s16;
	v2 =	vld [tilespmem:s5+$0xD210]  }
0x14f: {  	v1 =	vld [tilespmem:s17+$0xD080]  }
0x150: {  	v3 =	vand.u32 $0x7F, v5;
	v4 =	vld [tilespmem:s5+$0xD190]  }
0x151: {  	v14 =	vor.u32 v3, v14;
	v13 =	vld [tilespmem:s5+$0xD110]  }
0x152: {  	v15 =	vor.u32 $0x80, v14;
	v12 =	vld [tilespmem:s5+$0xD090]  }
0x153: {  	v10 =	vor.u32 $0x100, v14;
	v3 =	vld [tilespmem:s15+$0x0]  }
.Ltmp4:
0x154: {  	v8 =	vor.u32 $0x180, v14;
	v6 =	vld [tilespmem:s5+$0xD290];
	(pc) =	sbr.rel @p0 .LBB2_11-.Ltmp4, $4  }
0x155: {  	v9 =	vor.u32 $0x200, v14;
	v7 =	vld [tilespmem:s5+$0xD310];
	s5 =	sor.u32 $0x380, s16  }
0x156: {  	v11 =	vor.u32 $0x280, v14;
	v5 =	vld [tilespmem:s5+$0xD080]  }
0x157: {  	[tilespmem:v14+s24+$0x0] =	vst.idx.msk $0xffff, v12;
	v12 =	vor.u32 $0x300, v14  }
0x158: {  	s9 =	sadd.s32 $0x20, s9;
	s15 =	sadd.s32 $0x20, s15;
	[tilespmem:v15+s24+$0x0] =	vst.idx.msk $0xffff, v13;
	v13 =	vor.u32 $0x380, v14  }
0x159: {  	_ =	sdelay $0x3  }
0x15a: {  	[tilespmem:v10+s24+$0x0] =	vst.idx.msk $0xffff, v4;
	s2 =	sadd.s32 $0x1, s2  }
0x15b: {  	[tilespmem:v8+s24+$0x0] =	vst.idx.msk $0xffff, v2;
	p0 =	sne.s32 s2, $0x10  }
.Ltmp5:
0x15c: {  	[tilespmem:v9+s24+$0x0] =	vst.idx.msk $0xffff, v6;
	(pc) =	sbr.rel @p0 .LBB2_4-.Ltmp5, $4  }
0x15d: {  	[tilespmem:v11+s24+$0x0] =	vst.idx.msk $0xffff, v7  }
0x15e: {  	[tilespmem:v12+s24+$0x0] =	vst.idx.msk $0xffff, v1  }
0x15f: {  	s0 =	sadd.s32 s4, s0;
	[tilespmem:v13+s24+$0x0] =	vst.idx.msk $0xffff, v5  }
0x160: {  	[hbm4b:s0+s6] =	stream.linear.scatter [tilespmem:s24], [sflag:$0x6], $0x4000, $0x38;
	[tilespmem:$0x19080] =	vst v63  }
0x161: {  	_ =	swait.ge [sflag:s26], $0x4000  }
0x162: {  	[sflag:s26] =	ssyncset.done $0x0  }
0x163: {  	[sflag:s26] =	ssyncadd.s32 $0xFFFFC000  }
0x164: {  	_ =	swait.ge [sflag:s29], $0x4000  }
0x165: {  	s2 =	rddreg [dreg:$0x9]  }
0x166: {  	s0 =	rddreg [dreg:$0x8];
	s2 =	sadd.s32 $0x1, s2  }
0x167: {  	p0 =	sne.s32 s2, s0  }
.Ltmp6:
0x168: {  	_ = 	snop;
	(pc) =	sbr.rel @p0 .LBB2_1-.Ltmp6, $3  }
0x169: {  	_ =	sdelay $0x1  }
0x16a: {  	[sflag:s29] =	ssyncset.done $0x0  }
0x16b: {  	[sflag:s29] =	ssyncadd.s32 $0xFFFFC000  }
0x16c: {  	_ =	sfence.sel $0x180000  }
0x16d: {  	[bflag:$0x0] =	sbarrier.arrive $0xFFFF  }
0x16e: {  	_ =	strace $0x90000047  }
0x16f: {  	s0 =	stileid.u32;
	[bflag:$0x2] =	sbarrier.arrive $0xFFFF  }
0x170: {  	p0 =	sne.s32 s0, $0x0;
	s0 =	rddreg [dreg:$0x3]  }
0x171: {  	s0 =	sadd.s32 @!p0 $0x100000, s0  }
0x172: {  	[sflag:s0] =	ssyncadd.tile.s32 @!p0 $0x1;
	_ =	shalt  }
.Lfunc_end2:
_tile_overlayer_lowered:
.L_overlay_start_2:
0x173: {  	(tag) =	ssettag $0x2  }
0x174: {  	s0 =	rddreg [dreg:$0x0];
	s2 =	stileid.u32  }
0x175: {  	s1 =	rddreg [dreg:$0x1];
	p0 =	sne.s32 s2, $0x0  }
0x176: {  	s3 =	rddreg [dreg:$0x2];
	[bflag:$0x3] =	sbarrier.arrive $0xFFFF;
	s2 =	simm.s32 @!p0 $0x1C07  }
0x177: {  	[timem:s3], [sflag:s2] =	dma.local @!p0 [hbm:s0], s1  }
0x178: {  	s0 =	simm.s32 @!p0 $0x7  }
0x179: {  	_ =	swait.ge @!p0 [sflag:s0], s1  }
0x17a: {  	s1 =	ssub.s32 @!p0 $0x0, s1;
	[sflag:s0] =	ssyncset.done @!p0 $0x0  }
0x17b: {  	[sflag:s0] =	ssyncadd.s32 @!p0 s1  }
0x17c: {  	[bflag:$0x3] =	sbarrier.arrive $0xFFFF  }
0x17d: {  	_ =	shalt  }

</sc_bundles>
